<compile_context>
chip_gen: v7x
topology: tpu7x:2x2x1
jax: 0.10.2.dev20260603
libtpu: 0.0.44.dev20260713+nightly
codegen_flags: <defaults>
</compile_context>

<pallas_src>
import functools

import jax
import jax.numpy as jnp
from jax import lax
from jax.experimental import pallas as pl
from jax.experimental.pallas import tpu as pltpu
from jax.experimental.pallas import tpu_sc as plsc

_NC = 2
_NS = 16
_CH = 128


def _sc_gather(link_tab128, link_ids, dom_tab128, domain_ids):
    B = link_ids.shape[0]
    W = link_tab128.shape[1]
    nw = _NC * _NS
    bpw = B // nw
    nch = bpw // _CH
    mesh = plsc.VectorSubcoreMesh(
        core_axis_name="c", subcore_axis_name="s",
        num_cores=_NC, num_subcores=_NS)

    @functools.partial(
        pl.kernel,
        out_type=[
            jax.ShapeDtypeStruct((B, W), jnp.float32),
            jax.ShapeDtypeStruct((B, W), jnp.float32),
        ],
        mesh=mesh,
        scratch_types=[
            pltpu.VMEM((nch, _CH), jnp.int32),
            pltpu.VMEM((2, _CH, W), jnp.float32),
            pltpu.VMEM((nch, _CH), jnp.int32),
            pltpu.VMEM((2, _CH, W), jnp.float32),
            pltpu.SemaphoreType.DMA,
            pltpu.SemaphoreType.DMA,
        ],
    )
    def gather_kernel(ltab_hbm, lids_hbm, dtab_hbm, dids_hbm,
                      lout_hbm, dout_hbm,
                      lidx_v, lbuf_v, didx_v, dbuf_v, lsem, dsem):
        wid = lax.axis_index("s") * _NC + lax.axis_index("c")
        base = wid * bpw
        for k in range(nch):
            pltpu.sync_copy(lids_hbm.at[pl.ds(base + k * _CH, _CH)],
                            lidx_v.at[k])
            pltpu.sync_copy(dids_hbm.at[pl.ds(base + k * _CH, _CH)],
                            didx_v.at[k])
        lcps = [None] * nch
        dcps = [None] * nch
        lcps[0] = pltpu.async_copy(ltab_hbm.at[lidx_v.at[0]],
                                   lbuf_v.at[0], lsem)
        dcps[0] = pltpu.async_copy(dtab_hbm.at[didx_v.at[0]],
                                   dbuf_v.at[0], dsem)
        for k in range(nch):
            if k + 1 < nch:
                lcps[k + 1] = pltpu.async_copy(
                    ltab_hbm.at[lidx_v.at[k + 1]],
                    lbuf_v.at[(k + 1) % 2], lsem)
                dcps[k + 1] = pltpu.async_copy(
                    dtab_hbm.at[didx_v.at[k + 1]],
                    dbuf_v.at[(k + 1) % 2], dsem)
            lcps[k].wait()
            pltpu.sync_copy(lbuf_v.at[k % 2],
                            lout_hbm.at[pl.ds(base + k * _CH, _CH)])
            dcps[k].wait()
            pltpu.sync_copy(dbuf_v.at[k % 2],
                            dout_hbm.at[pl.ds(base + k * _CH, _CH)])

    return gather_kernel(link_tab128, link_ids, dom_tab128, domain_ids)


def _mlp_body(t_ref, le_ref, de_ref, wt_ref, bt_ref,
              w1a_ref, w1b_ref, w1c_ref, b1_ref, w2_ref, b2_ref, o_ref):
    t = jnp.dot(t_ref[...], wt_ref[...], preferred_element_type=jnp.float32)
    t = t + bt_ref[...]
    h = (jnp.dot(t, w1b_ref[...], preferred_element_type=jnp.float32)
         + jnp.dot(le_ref[..., :w1a_ref.shape[0]], w1a_ref[...],
                   preferred_element_type=jnp.float32)
         + jnp.dot(de_ref[..., :w1c_ref.shape[0]], w1c_ref[...],
                   preferred_element_type=jnp.float32)
         + b1_ref[...])
    h = jnp.maximum(h, 0.0)
    o_ref[...] = jnp.dot(h, w2_ref[...], preferred_element_type=jnp.float32) + b2_ref[...]


def _mlp(text_feats, link_e, dom_e, W_text, b_text,
         W1a, W1b, W1c, b1, W2, b2, interpret=False):
    B = text_feats.shape[0]
    BR = 2048
    grid = (B // BR,)

    def row_block(d):
        return pl.BlockSpec((BR, d), lambda i: (i, 0))

    def full_block(w):
        return pl.BlockSpec(w.shape, lambda i: (0,) * w.ndim)

    return pl.pallas_call(
        _mlp_body,
        grid=grid,
        in_specs=[
            row_block(text_feats.shape[1]),
            row_block(link_e.shape[1]),
            row_block(dom_e.shape[1]),
            full_block(W_text), full_block(b_text),
            full_block(W1a), full_block(W1b), full_block(W1c), full_block(b1),
            full_block(W2), full_block(b2),
        ],
        out_specs=row_block(W2.shape[1]),
        out_shape=jax.ShapeDtypeStruct((B, W2.shape[1]), jnp.float32),
        interpret=interpret,
    )(text_feats, link_e, dom_e, W_text, b_text,
      W1a, W1b, W1c, b1, W2, b2)


def kernel(link_ids, domain_ids, text_feats, link_table, domain_table,
           W_text, b_text, W1, b1, W2, b2):
    DL = link_table.shape[1]
    DT = W_text.shape[1]
    DD = domain_table.shape[1]
    pad_l = jnp.eye(DL, 128, dtype=jnp.float32)
    link128 = link_table @ pad_l
    dom128 = jnp.pad(domain_table, ((0, 0), (0, 128 - DD)))
    link_e, dom_e = _sc_gather(link128, link_ids, dom128, domain_ids)
    W1a = W1[:DL]
    W1b = W1[DL:DL + DT]
    W1c = W1[DL + DT:]
    return _mlp(text_feats, link_e, dom_e,
                W_text, b_text.reshape(1, -1),
                W1a, W1b, W1c, b1.reshape(1, -1),
                W2, b2.reshape(1, -1))

# --- scband reference (transcript-rebuilt; emitter-appended) ---
"""Pipeline reference for scband-product-nn-6270652252669 (READ-ONLY COPY).

The authoritative reference and input builder live on the scoring server;
editing this copy changes nothing except your own understanding.
"""

import jax, jax.numpy as jnp
import numpy as np

N_LINK = 1000000
N_DOMAIN = 1000
B = 16384
TEXT_IN = 300
TEXT_OUT = 80

def setup_inputs(seed: int = 0) -> dict:
    key = jax.random.key(seed)
    ks = jax.random.split(key, 12)
    link_ids = jax.random.randint(ks[0], (B,), 0, N_LINK, dtype=jnp.int32)
    domain_ids = jax.random.randint(ks[1], (B,), 0, N_DOMAIN, dtype=jnp.int32)
    text_feats = jax.random.normal(ks[2], (B, TEXT_IN), dtype=jnp.float32)
    link_table = jax.random.normal(ks[3], (N_LINK + 1, 50), dtype=jnp.float32) * 0.02
    domain_table = jax.random.normal(ks[4], (N_DOMAIN + 2, 30), dtype=jnp.float32) * 0.02
    # padding_idx = N_DOMAIN + 1 -> zero row
    domain_table = domain_table.at[N_DOMAIN + 1].set(0.0)
    W_text = jax.random.normal(ks[5], (TEXT_IN, TEXT_OUT), dtype=jnp.float32) * (1.0 / np.sqrt(TEXT_IN))
    b_text = jnp.zeros((TEXT_OUT,), dtype=jnp.float32)
    W1 = jax.random.normal(ks[6], (160, 80), dtype=jnp.float32) * (1.0 / np.sqrt(160))
    b1 = jnp.zeros((80,), dtype=jnp.float32)
    W2 = jax.random.normal(ks[7], (80, 18), dtype=jnp.float32) * (1.0 / np.sqrt(80))
    b2 = jnp.zeros((18,), dtype=jnp.float32)
    return {
        'link_ids': link_ids,
        'domain_ids': domain_ids,
        'text_feats': text_feats,
        'link_table': link_table,
        'domain_table': domain_table,
        'W_text': W_text,
        'b_text': b_text,
        'W1': W1,
        'b1': b1,
        'W2': W2,
        'b2': b2,
    }

def reference(link_ids, domain_ids, text_feats, link_table, domain_table, W_text, b_text, W1, b1, W2, b2):
    # self.link_emb(link_ids)
    link_e = jnp.take(link_table, link_ids, axis=0)
    # self.domain_emb(domain_ids) with padding_idx row already zeroed
    dom_e = jnp.take(domain_table, domain_ids, axis=0)
    # self.text_emb_model(text_feats): linear 300 -> 80
    text_e = text_feats @ W_text + b_text
    # torch.cat((link_emb_id, text_feats, domain_emb_id), dim=1)
    x = jnp.concatenate([link_e, text_e, dom_e], axis=1)
    # linear2(relu(linear1(x)))
    h = jnp.maximum(x @ W1 + b1, 0.0)
    out = h @ W2 + b2
    return out

if __name__ == "__main__":
    import jax
    _d = setup_inputs()
    print(jax.jit(kernel)(*tuple(_d.values())))

</pallas_src>

<mosaic_0001>
#map = affine_map<(d0, d1) -> (0, 0)>
#map1 = affine_map<(d0, d1) -> (0)>
module attributes {stable_mosaic.version = 14 : i64} {
  func.func @gather_kernel(%arg0: i32, %arg1: i32, %arg2: memref<1000001x128xf32, #tpu.memory_space<hbm>>, %arg3: memref<16384xi32, #tpu.memory_space<hbm>>, %arg4: memref<1002x128xf32, #tpu.memory_space<hbm>>, %arg5: memref<16384xi32, #tpu.memory_space<hbm>>, %arg6: memref<16384x128xf32, #tpu.memory_space<hbm>>, %arg7: memref<16384x128xf32, #tpu.memory_space<hbm>>, %arg8: memref<4x128xi32, #tpu.memory_space<vmem>>, %arg9: memref<2x128x128xf32, #tpu.memory_space<vmem>>, %arg10: memref<4x128xi32, #tpu.memory_space<vmem>>, %arg11: memref<2x128x128xf32, #tpu.memory_space<vmem>>, %arg12: memref<!tpu.dma_semaphore, #tpu.memory_space<semaphore_mem>>, %arg13: memref<!tpu.dma_semaphore, #tpu.memory_space<semaphore_mem>>) attributes {dimension_semantics = [#tpu.dimension_semantics<core_parallel>, #tpu.dimension_semantics<subcore_parallel>], iteration_bounds = array<i64: 2, 16>, scalar_prefetch = 0 : i64, scratch_operands = 6 : i64, tpu.core_type = #tpu.core_type<sc_vector_subcore>, window_params = [{transform_indices = #map}, {transform_indices = #map1}, {transform_indices = #map}, {transform_indices = #map1}, {transform_indices = #map}, {transform_indices = #map}]} {
    %mul3A = arith.constant 2 : i32
    %mul3A_0 = arith.muli %arg1, %mul3A : i32
    %add3A = arith.addi %mul3A_0, %arg0 : i32
    %mul3A_1 = arith.constant 512 : i32
    %mul3A_2 = arith.muli %add3A, %mul3A_1 : i32
    %add3A_3 = arith.constant 0 : i32
    %add3A_4 = arith.addi %mul3A_2, %add3A_3 : i32
    %run_scoped3A = arith.constant 0 : i32
    "tpu.region"() ({
      %run_scoped3A_240 = tpu.sem_alloc : memref<!tpu.dma_semaphore, #tpu.memory_space<semaphore_mem>>
      %dma_start3A_241 = arith.constant 0 : i32
      %dma_start3A_242 = tpu.memref_slice %arg8[%run_scoped3A, %dma_start3A_241] : memref<4x128xi32, #tpu.memory_space<vmem>> -> memref<1x128xi32, #tpu.memory_space<vmem>>
      %dma_start3A_243 = tpu.memref_squeeze %dma_start3A_242 : memref<1x128xi32, #tpu.memory_space<vmem>> -> memref<128xi32, #tpu.memory_space<vmem>>
      %dma_start3A_244 = tpu.memref_slice %arg3[%add3A_4] : memref<16384xi32, #tpu.memory_space<hbm>> -> memref<128xi32, #tpu.memory_space<hbm>>
      %dma_start3A_245 = arith.constant 0 : i32
      %dma_start3A_246 = tpu.memref_slice %arg8[%run_scoped3A, %dma_start3A_245] : memref<4x128xi32, #tpu.memory_space<vmem>> -> memref<1x128xi32, #tpu.memory_space<vmem>>
      %dma_start3A_247 = tpu.memref_squeeze %dma_start3A_246 : memref<1x128xi32, #tpu.memory_space<vmem>> -> memref<128xi32, #tpu.memory_space<vmem>>
      %dma_start3A_248 = tpu.memref_slice %arg3[%add3A_4] : memref<16384xi32, #tpu.memory_space<hbm>> -> memref<128xi32, #tpu.memory_space<hbm>>
      tpu.enqueue_dma source(%dma_start3A_248 : memref<128xi32, #tpu.memory_space<hbm>>) target(%dma_start3A_247 : memref<128xi32, #tpu.memory_space<vmem>>) target_semaphore(%run_scoped3A_240 : memref<!tpu.dma_semaphore, #tpu.memory_space<semaphore_mem>>)
      %dma_wait3A_249 = arith.constant 0 : i32
      %dma_wait3A_250 = tpu.memref_slice %arg8[%run_scoped3A, %dma_wait3A_249] : memref<4x128xi32, #tpu.memory_space<vmem>> -> memref<1x128xi32, #tpu.memory_space<vmem>>
      %dma_wait3A_251 = tpu.memref_squeeze %dma_wait3A_250 : memref<1x128xi32, #tpu.memory_space<vmem>> -> memref<128xi32, #tpu.memory_space<vmem>>
      %dma_wait3A_252 = tpu.memref_slice %arg3[%add3A_4] : memref<16384xi32, #tpu.memory_space<hbm>> -> memref<128xi32, #tpu.memory_space<hbm>>
      %dma_wait3A_253 = arith.constant 0 : i32
      %dma_wait3A_254 = tpu.memref_slice %arg8[%run_scoped3A, %dma_wait3A_253] : memref<4x128xi32, #tpu.memory_space<vmem>> -> memref<1x128xi32, #tpu.memory_space<vmem>>
      %dma_wait3A_255 = tpu.memref_squeeze %dma_wait3A_254 : memref<1x128xi32, #tpu.memory_space<vmem>> -> memref<128xi32, #tpu.memory_space<vmem>>
      %dma_wait3A_256 = tpu.memref_slice %arg3[%add3A_4] : memref<16384xi32, #tpu.memory_space<hbm>> -> memref<128xi32, #tpu.memory_space<hbm>>
      tpu.wait_dma2 semaphore(%run_scoped3A_240 : memref<!tpu.dma_semaphore, #tpu.memory_space<semaphore_mem>>) src(%dma_wait3A_256 : memref<128xi32, #tpu.memory_space<hbm>>) dst(%dma_wait3A_255 : memref<128xi32, #tpu.memory_space<vmem>>)
      tpu.yield
    }) : () -> ()
    %add3A_5 = arith.constant 0 : i32
    %add3A_6 = arith.addi %mul3A_2, %add3A_5 : i32
    %run_scoped3A_7 = arith.constant 0 : i32
    "tpu.region"() ({
      %run_scoped3A_240 = tpu.sem_alloc : memref<!tpu.dma_semaphore, #tpu.memory_space<semaphore_mem>>
      %dma_start3A_241 = arith.constant 0 : i32
      %dma_start3A_242 = tpu.memref_slice %arg10[%run_scoped3A_7, %dma_start3A_241] : memref<4x128xi32, #tpu.memory_space<vmem>> -> memref<1x128xi32, #tpu.memory_space<vmem>>
      %dma_start3A_243 = tpu.memref_squeeze %dma_start3A_242 : memref<1x128xi32, #tpu.memory_space<vmem>> -> memref<128xi32, #tpu.memory_space<vmem>>
      %dma_start3A_244 = tpu.memref_slice %arg5[%add3A_6] : memref<16384xi32, #tpu.memory_space<hbm>> -> memref<128xi32, #tpu.memory_space<hbm>>
      %dma_start3A_245 = arith.constant 0 : i32
      %dma_start3A_246 = tpu.memref_slice %arg10[%run_scoped3A_7, %dma_start3A_245] : memref<4x128xi32, #tpu.memory_space<vmem>> -> memref<1x128xi32, #tpu.memory_space<vmem>>
      %dma_start3A_247 = tpu.memref_squeeze %dma_start3A_246 : memref<1x128xi32, #tpu.memory_space<vmem>> -> memref<128xi32, #tpu.memory_space<vmem>>
      %dma_start3A_248 = tpu.memref_slice %arg5[%add3A_6] : memref<16384xi32, #tpu.memory_space<hbm>> -> memref<128xi32, #tpu.memory_space<hbm>>
      tpu.enqueue_dma source(%dma_start3A_248 : memref<128xi32, #tpu.memory_space<hbm>>) target(%dma_start3A_247 : memref<128xi32, #tpu.memory_space<vmem>>) target_semaphore(%run_scoped3A_240 : memref<!tpu.dma_semaphore, #tpu.memory_space<semaphore_mem>>)
      %dma_wait3A_249 = arith.constant 0 : i32
      %dma_wait3A_250 = tpu.memref_slice %arg10[%run_scoped3A_7, %dma_wait3A_249] : memref<4x128xi32, #tpu.memory_space<vmem>> -> memref<1x128xi32, #tpu.memory_space<vmem>>
      %dma_wait3A_251 = tpu.memref_squeeze %dma_wait3A_250 : memref<1x128xi32, #tpu.memory_space<vmem>> -> memref<128xi32, #tpu.memory_space<vmem>>
      %dma_wait3A_252 = tpu.memref_slice %arg5[%add3A_6] : memref<16384xi32, #tpu.memory_space<hbm>> -> memref<128xi32, #tpu.memory_space<hbm>>
      %dma_wait3A_253 = arith.constant 0 : i32
      %dma_wait3A_254 = tpu.memref_slice %arg10[%run_scoped3A_7, %dma_wait3A_253] : memref<4x128xi32, #tpu.memory_space<vmem>> -> memref<1x128xi32, #tpu.memory_space<vmem>>
      %dma_wait3A_255 = tpu.memref_squeeze %dma_wait3A_254 : memref<1x128xi32, #tpu.memory_space<vmem>> -> memref<128xi32, #tpu.memory_space<vmem>>
      %dma_wait3A_256 = tpu.memref_slice %arg5[%add3A_6] : memref<16384xi32, #tpu.memory_space<hbm>> -> memref<128xi32, #tpu.memory_space<hbm>>
      tpu.wait_dma2 semaphore(%run_scoped3A_240 : memref<!tpu.dma_semaphore, #tpu.memory_space<semaphore_mem>>) src(%dma_wait3A_256 : memref<128xi32, #tpu.memory_space<hbm>>) dst(%dma_wait3A_255 : memref<128xi32, #tpu.memory_space<vmem>>)
      tpu.yield
    }) : () -> ()
    %add3A_8 = arith.constant 128 : i32
    %add3A_9 = arith.addi %mul3A_2, %add3A_8 : i32
    %run_scoped3A_10 = arith.constant 1 : i32
    "tpu.region"() ({
      %run_scoped3A_240 = tpu.sem_alloc : memref<!tpu.dma_semaphore, #tpu.memory_space<semaphore_mem>>
      %dma_start3A_241 = arith.constant 0 : i32
      %dma_start3A_242 = tpu.memref_slice %arg8[%run_scoped3A_10, %dma_start3A_241] : memref<4x128xi32, #tpu.memory_space<vmem>> -> memref<1x128xi32, #tpu.memory_space<vmem>>
      %dma_start3A_243 = tpu.memref_squeeze %dma_start3A_242 : memref<1x128xi32, #tpu.memory_space<vmem>> -> memref<128xi32, #tpu.memory_space<vmem>>
      %dma_start3A_244 = tpu.memref_slice %arg3[%add3A_9] : memref<16384xi32, #tpu.memory_space<hbm>> -> memref<128xi32, #tpu.memory_space<hbm>>
      %dma_start3A_245 = arith.constant 0 : i32
      %dma_start3A_246 = tpu.memref_slice %arg8[%run_scoped3A_10, %dma_start3A_245] : memref<4x128xi32, #tpu.memory_space<vmem>> -> memref<1x128xi32, #tpu.memory_space<vmem>>
      %dma_start3A_247 = tpu.memref_squeeze %dma_start3A_246 : memref<1x128xi32, #tpu.memory_space<vmem>> -> memref<128xi32, #tpu.memory_space<vmem>>
      %dma_start3A_248 = tpu.memref_slice %arg3[%add3A_9] : memref<16384xi32, #tpu.memory_space<hbm>> -> memref<128xi32, #tpu.memory_space<hbm>>
      tpu.enqueue_dma source(%dma_start3A_248 : memref<128xi32, #tpu.memory_space<hbm>>) target(%dma_start3A_247 : memref<128xi32, #tpu.memory_space<vmem>>) target_semaphore(%run_scoped3A_240 : memref<!tpu.dma_semaphore, #tpu.memory_space<semaphore_mem>>)
      %dma_wait3A_249 = arith.constant 0 : i32
      %dma_wait3A_250 = tpu.memref_slice %arg8[%run_scoped3A_10, %dma_wait3A_249] : memref<4x128xi32, #tpu.memory_space<vmem>> -> memref<1x128xi32, #tpu.memory_space<vmem>>
      %dma_wait3A_251 = tpu.memref_squeeze %dma_wait3A_250 : memref<1x128xi32, #tpu.memory_space<vmem>> -> memref<128xi32, #tpu.memory_space<vmem>>
      %dma_wait3A_252 = tpu.memref_slice %arg3[%add3A_9] : memref<16384xi32, #tpu.memory_space<hbm>> -> memref<128xi32, #tpu.memory_space<hbm>>
      %dma_wait3A_253 = arith.constant 0 : i32
      %dma_wait3A_254 = tpu.memref_slice %arg8[%run_scoped3A_10, %dma_wait3A_253] : memref<4x128xi32, #tpu.memory_space<vmem>> -> memref<1x128xi32, #tpu.memory_space<vmem>>
      %dma_wait3A_255 = tpu.memref_squeeze %dma_wait3A_254 : memref<1x128xi32, #tpu.memory_space<vmem>> -> memref<128xi32, #tpu.memory_space<vmem>>
      %dma_wait3A_256 = tpu.memref_slice %arg3[%add3A_9] : memref<16384xi32, #tpu.memory_space<hbm>> -> memref<128xi32, #tpu.memory_space<hbm>>
      tpu.wait_dma2 semaphore(%run_scoped3A_240 : memref<!tpu.dma_semaphore, #tpu.memory_space<semaphore_mem>>) src(%dma_wait3A_256 : memref<128xi32, #tpu.memory_space<hbm>>) dst(%dma_wait3A_255 : memref<128xi32, #tpu.memory_space<vmem>>)
      tpu.yield
    }) : () -> ()
    %add3A_11 = arith.constant 128 : i32
    %add3A_12 = arith.addi %mul3A_2, %add3A_11 : i32
    %run_scoped3A_13 = arith.constant 1 : i32
    "tpu.region"() ({
      %run_scoped3A_240 = tpu.sem_alloc : memref<!tpu.dma_semaphore, #tpu.memory_space<semaphore_mem>>
      %dma_start3A_241 = arith.constant 0 : i32
      %dma_start3A_242 = tpu.memref_slice %arg10[%run_scoped3A_13, %dma_start3A_241] : memref<4x128xi32, #tpu.memory_space<vmem>> -> memref<1x128xi32, #tpu.memory_space<vmem>>
      %dma_start3A_243 = tpu.memref_squeeze %dma_start3A_242 : memref<1x128xi32, #tpu.memory_space<vmem>> -> memref<128xi32, #tpu.memory_space<vmem>>
      %dma_start3A_244 = tpu.memref_slice %arg5[%add3A_12] : memref<16384xi32, #tpu.memory_space<hbm>> -> memref<128xi32, #tpu.memory_space<hbm>>
      %dma_start3A_245 = arith.constant 0 : i32
      %dma_start3A_246 = tpu.memref_slice %arg10[%run_scoped3A_13, %dma_start3A_245] : memref<4x128xi32, #tpu.memory_space<vmem>> -> memref<1x128xi32, #tpu.memory_space<vmem>>
      %dma_start3A_247 = tpu.memref_squeeze %dma_start3A_246 : memref<1x128xi32, #tpu.memory_space<vmem>> -> memref<128xi32, #tpu.memory_space<vmem>>
      %dma_start3A_248 = tpu.memref_slice %arg5[%add3A_12] : memref<16384xi32, #tpu.memory_space<hbm>> -> memref<128xi32, #tpu.memory_space<hbm>>
      tpu.enqueue_dma source(%dma_start3A_248 : memref<128xi32, #tpu.memory_space<hbm>>) target(%dma_start3A_247 : memref<128xi32, #tpu.memory_space<vmem>>) target_semaphore(%run_scoped3A_240 : memref<!tpu.dma_semaphore, #tpu.memory_space<semaphore_mem>>)
      %dma_wait3A_249 = arith.constant 0 : i32
      %dma_wait3A_250 = tpu.memref_slice %arg10[%run_scoped3A_13, %dma_wait3A_249] : memref<4x128xi32, #tpu.memory_space<vmem>> -> memref<1x128xi32, #tpu.memory_space<vmem>>
      %dma_wait3A_251 = tpu.memref_squeeze %dma_wait3A_250 : memref<1x128xi32, #tpu.memory_space<vmem>> -> memref<128xi32, #tpu.memory_space<vmem>>
      %dma_wait3A_252 = tpu.memref_slice %arg5[%add3A_12] : memref<16384xi32, #tpu.memory_space<hbm>> -> memref<128xi32, #tpu.memory_space<hbm>>
      %dma_wait3A_253 = arith.constant 0 : i32
      %dma_wait3A_254 = tpu.memref_slice %arg10[%run_scoped3A_13, %dma_wait3A_253] : memref<4x128xi32, #tpu.memory_space<vmem>> -> memref<1x128xi32, #tpu.memory_space<vmem>>
      %dma_wait3A_255 = tpu.memref_squeeze %dma_wait3A_254 : memref<1x128xi32, #tpu.memory_space<vmem>> -> memref<128xi32, #tpu.memory_space<vmem>>
      %dma_wait3A_256 = tpu.memref_slice %arg5[%add3A_12] : memref<16384xi32, #tpu.memory_space<hbm>> -> memref<128xi32, #tpu.memory_space<hbm>>
      tpu.wait_dma2 semaphore(%run_scoped3A_240 : memref<!tpu.dma_semaphore, #tpu.memory_space<semaphore_mem>>) src(%dma_wait3A_256 : memref<128xi32, #tpu.memory_space<hbm>>) dst(%dma_wait3A_255 : memref<128xi32, #tpu.memory_space<vmem>>)
      tpu.yield
    }) : () -> ()
    %add3A_14 = arith.constant 256 : i32
    %add3A_15 = arith.addi %mul3A_2, %add3A_14 : i32
    %run_scoped3A_16 = arith.constant 2 : i32
    "tpu.region"() ({
      %run_scoped3A_240 = tpu.sem_alloc : memref<!tpu.dma_semaphore, #tpu.memory_space<semaphore_mem>>
      %dma_start3A_241 = arith.constant 0 : i32
      %dma_start3A_242 = tpu.memref_slice %arg8[%run_scoped3A_16, %dma_start3A_241] : memref<4x128xi32, #tpu.memory_space<vmem>> -> memref<1x128xi32, #tpu.memory_space<vmem>>
      %dma_start3A_243 = tpu.memref_squeeze %dma_start3A_242 : memref<1x128xi32, #tpu.memory_space<vmem>> -> memref<128xi32, #tpu.memory_space<vmem>>
      %dma_start3A_244 = tpu.memref_slice %arg3[%add3A_15] : memref<16384xi32, #tpu.memory_space<hbm>> -> memref<128xi32, #tpu.memory_space<hbm>>
      %dma_start3A_245 = arith.constant 0 : i32
      %dma_start3A_246 = tpu.memref_slice %arg8[%run_scoped3A_16, %dma_start3A_245] : memref<4x128xi32, #tpu.memory_space<vmem>> -> memref<1x128xi32, #tpu.memory_space<vmem>>
      %dma_start3A_247 = tpu.memref_squeeze %dma_start3A_246 : memref<1x128xi32, #tpu.memory_space<vmem>> -> memref<128xi32, #tpu.memory_space<vmem>>
      %dma_start3A_248 = tpu.memref_slice %arg3[%add3A_15] : memref<16384xi32, #tpu.memory_space<hbm>> -> memref<128xi32, #tpu.memory_space<hbm>>
      tpu.enqueue_dma source(%dma_start3A_248 : memref<128xi32, #tpu.memory_space<hbm>>) target(%dma_start3A_247 : memref<128xi32, #tpu.memory_space<vmem>>) target_semaphore(%run_scoped3A_240 : memref<!tpu.dma_semaphore, #tpu.memory_space<semaphore_mem>>)
      %dma_wait3A_249 = arith.constant 0 : i32
      %dma_wait3A_250 = tpu.memref_slice %arg8[%run_scoped3A_16, %dma_wait3A_249] : memref<4x128xi32, #tpu.memory_space<vmem>> -> memref<1x128xi32, #tpu.memory_space<vmem>>
      %dma_wait3A_251 = tpu.memref_squeeze %dma_wait3A_250 : memref<1x128xi32, #tpu.memory_space<vmem>> -> memref<128xi32, #tpu.memory_space<vmem>>
      %dma_wait3A_252 = tpu.memref_slice %arg3[%add3A_15] : memref<16384xi32, #tpu.memory_space<hbm>> -> memref<128xi32, #tpu.memory_space<hbm>>
      %dma_wait3A_253 = arith.constant 0 : i32
      %dma_wait3A_254 = tpu.memref_slice %arg8[%run_scoped3A_16, %dma_wait3A_253] : memref<4x128xi32, #tpu.memory_space<vmem>> -> memref<1x128xi32, #tpu.memory_space<vmem>>
      %dma_wait3A_255 = tpu.memref_squeeze %dma_wait3A_254 : memref<1x128xi32, #tpu.memory_space<vmem>> -> memref<128xi32, #tpu.memory_space<vmem>>
      %dma_wait3A_256 = tpu.memref_slice %arg3[%add3A_15] : memref<16384xi32, #tpu.memory_space<hbm>> -> memref<128xi32, #tpu.memory_space<hbm>>
      tpu.wait_dma2 semaphore(%run_scoped3A_240 : memref<!tpu.dma_semaphore, #tpu.memory_space<semaphore_mem>>) src(%dma_wait3A_256 : memref<128xi32, #tpu.memory_space<hbm>>) dst(%dma_wait3A_255 : memref<128xi32, #tpu.memory_space<vmem>>)
      tpu.yield
    }) : () -> ()
    %add3A_17 = arith.constant 256 : i32
    %add3A_18 = arith.addi %mul3A_2, %add3A_17 : i32
    %run_scoped3A_19 = arith.constant 2 : i32
    "tpu.region"() ({
      %run_scoped3A_240 = tpu.sem_alloc : memref<!tpu.dma_semaphore, #tpu.memory_space<semaphore_mem>>
      %dma_start3A_241 = arith.constant 0 : i32
      %dma_start3A_242 = tpu.memref_slice %arg10[%run_scoped3A_19, %dma_start3A_241] : memref<4x128xi32, #tpu.memory_space<vmem>> -> memref<1x128xi32, #tpu.memory_space<vmem>>
      %dma_start3A_243 = tpu.memref_squeeze %dma_start3A_242 : memref<1x128xi32, #tpu.memory_space<vmem>> -> memref<128xi32, #tpu.memory_space<vmem>>
      %dma_start3A_244 = tpu.memref_slice %arg5[%add3A_18] : memref<16384xi32, #tpu.memory_space<hbm>> -> memref<128xi32, #tpu.memory_space<hbm>>
      %dma_start3A_245 = arith.constant 0 : i32
      %dma_start3A_246 = tpu.memref_slice %arg10[%run_scoped3A_19, %dma_start3A_245] : memref<4x128xi32, #tpu.memory_space<vmem>> -> memref<1x128xi32, #tpu.memory_space<vmem>>
      %dma_start3A_247 = tpu.memref_squeeze %dma_start3A_246 : memref<1x128xi32, #tpu.memory_space<vmem>> -> memref<128xi32, #tpu.memory_space<vmem>>
      %dma_start3A_248 = tpu.memref_slice %arg5[%add3A_18] : memref<16384xi32, #tpu.memory_space<hbm>> -> memref<128xi32, #tpu.memory_space<hbm>>
      tpu.enqueue_dma source(%dma_start3A_248 : memref<128xi32, #tpu.memory_space<hbm>>) target(%dma_start3A_247 : memref<128xi32, #tpu.memory_space<vmem>>) target_semaphore(%run_scoped3A_240 : memref<!tpu.dma_semaphore, #tpu.memory_space<semaphore_mem>>)
      %dma_wait3A_249 = arith.constant 0 : i32
      %dma_wait3A_250 = tpu.memref_slice %arg10[%run_scoped3A_19, %dma_wait3A_249] : memref<4x128xi32, #tpu.memory_space<vmem>> -> memref<1x128xi32, #tpu.memory_space<vmem>>
      %dma_wait3A_251 = tpu.memref_squeeze %dma_wait3A_250 : memref<1x128xi32, #tpu.memory_space<vmem>> -> memref<128xi32, #tpu.memory_space<vmem>>
      %dma_wait3A_252 = tpu.memref_slice %arg5[%add3A_18] : memref<16384xi32, #tpu.memory_space<hbm>> -> memref<128xi32, #tpu.memory_space<hbm>>
      %dma_wait3A_253 = arith.constant 0 : i32
      %dma_wait3A_254 = tpu.memref_slice %arg10[%run_scoped3A_19, %dma_wait3A_253] : memref<4x128xi32, #tpu.memory_space<vmem>> -> memref<1x128xi32, #tpu.memory_space<vmem>>
      %dma_wait3A_255 = tpu.memref_squeeze %dma_wait3A_254 : memref<1x128xi32, #tpu.memory_space<vmem>> -> memref<128xi32, #tpu.memory_space<vmem>>
      %dma_wait3A_256 = tpu.memref_slice %arg5[%add3A_18] : memref<16384xi32, #tpu.memory_space<hbm>> -> memref<128xi32, #tpu.memory_space<hbm>>
      tpu.wait_dma2 semaphore(%run_scoped3A_240 : memref<!tpu.dma_semaphore, #tpu.memory_space<semaphore_mem>>) src(%dma_wait3A_256 : memref<128xi32, #tpu.memory_space<hbm>>) dst(%dma_wait3A_255 : memref<128xi32, #tpu.memory_space<vmem>>)
      tpu.yield
    }) : () -> ()
    %add3A_20 = arith.constant 384 : i32
    %add3A_21 = arith.addi %mul3A_2, %add3A_20 : i32
    %run_scoped3A_22 = arith.constant 3 : i32
    "tpu.region"() ({
      %run_scoped3A_240 = tpu.sem_alloc : memref<!tpu.dma_semaphore, #tpu.memory_space<semaphore_mem>>
      %dma_start3A_241 = arith.constant 0 : i32
      %dma_start3A_242 = tpu.memref_slice %arg8[%run_scoped3A_22, %dma_start3A_241] : memref<4x128xi32, #tpu.memory_space<vmem>> -> memref<1x128xi32, #tpu.memory_space<vmem>>
      %dma_start3A_243 = tpu.memref_squeeze %dma_start3A_242 : memref<1x128xi32, #tpu.memory_space<vmem>> -> memref<128xi32, #tpu.memory_space<vmem>>
      %dma_start3A_244 = tpu.memref_slice %arg3[%add3A_21] : memref<16384xi32, #tpu.memory_space<hbm>> -> memref<128xi32, #tpu.memory_space<hbm>>
      %dma_start3A_245 = arith.constant 0 : i32
      %dma_start3A_246 = tpu.memref_slice %arg8[%run_scoped3A_22, %dma_start3A_245] : memref<4x128xi32, #tpu.memory_space<vmem>> -> memref<1x128xi32, #tpu.memory_space<vmem>>
      %dma_start3A_247 = tpu.memref_squeeze %dma_start3A_246 : memref<1x128xi32, #tpu.memory_space<vmem>> -> memref<128xi32, #tpu.memory_space<vmem>>
      %dma_start3A_248 = tpu.memref_slice %arg3[%add3A_21] : memref<16384xi32, #tpu.memory_space<hbm>> -> memref<128xi32, #tpu.memory_space<hbm>>
      tpu.enqueue_dma source(%dma_start3A_248 : memref<128xi32, #tpu.memory_space<hbm>>) target(%dma_start3A_247 : memref<128xi32, #tpu.memory_space<vmem>>) target_semaphore(%run_scoped3A_240 : memref<!tpu.dma_semaphore, #tpu.memory_space<semaphore_mem>>)
      %dma_wait3A_249 = arith.constant 0 : i32
      %dma_wait3A_250 = tpu.memref_slice %arg8[%run_scoped3A_22, %dma_wait3A_249] : memref<4x128xi32, #tpu.memory_space<vmem>> -> memref<1x128xi32, #tpu.memory_space<vmem>>
      %dma_wait3A_251 = tpu.memref_squeeze %dma_wait3A_250 : memref<1x128xi32, #tpu.memory_space<vmem>> -> memref<128xi32, #tpu.memory_space<vmem>>
      %dma_wait3A_252 = tpu.memref_slice %arg3[%add3A_21] : memref<16384xi32, #tpu.memory_space<hbm>> -> memref<128xi32, #tpu.memory_space<hbm>>
      %dma_wait3A_253 = arith.constant 0 : i32
      %dma_wait3A_254 = tpu.memref_slice %arg8[%run_scoped3A_22, %dma_wait3A_253] : memref<4x128xi32, #tpu.memory_space<vmem>> -> memref<1x128xi32, #tpu.memory_space<vmem>>
      %dma_wait3A_255 = tpu.memref_squeeze %dma_wait3A_254 : memref<1x128xi32, #tpu.memory_space<vmem>> -> memref<128xi32, #tpu.memory_space<vmem>>
      %dma_wait3A_256 = tpu.memref_slice %arg3[%add3A_21] : memref<16384xi32, #tpu.memory_space<hbm>> -> memref<128xi32, #tpu.memory_space<hbm>>
      tpu.wait_dma2 semaphore(%run_scoped3A_240 : memref<!tpu.dma_semaphore, #tpu.memory_space<semaphore_mem>>) src(%dma_wait3A_256 : memref<128xi32, #tpu.memory_space<hbm>>) dst(%dma_wait3A_255 : memref<128xi32, #tpu.memory_space<vmem>>)
      tpu.yield
    }) : () -> ()
    %add3A_23 = arith.constant 384 : i32
    %add3A_24 = arith.addi %mul3A_2, %add3A_23 : i32
    %run_scoped3A_25 = arith.constant 3 : i32
    "tpu.region"() ({
      %run_scoped3A_240 = tpu.sem_alloc : memref<!tpu.dma_semaphore, #tpu.memory_space<semaphore_mem>>
      %dma_start3A_241 = arith.constant 0 : i32
      %dma_start3A_242 = tpu.memref_slice %arg10[%run_scoped3A_25, %dma_start3A_241] : memref<4x128xi32, #tpu.memory_space<vmem>> -> memref<1x128xi32, #tpu.memory_space<vmem>>
      %dma_start3A_243 = tpu.memref_squeeze %dma_start3A_242 : memref<1x128xi32, #tpu.memory_space<vmem>> -> memref<128xi32, #tpu.memory_space<vmem>>
      %dma_start3A_244 = tpu.memref_slice %arg5[%add3A_24] : memref<16384xi32, #tpu.memory_space<hbm>> -> memref<128xi32, #tpu.memory_space<hbm>>
      %dma_start3A_245 = arith.constant 0 : i32
      %dma_start3A_246 = tpu.memref_slice %arg10[%run_scoped3A_25, %dma_start3A_245] : memref<4x128xi32, #tpu.memory_space<vmem>> -> memref<1x128xi32, #tpu.memory_space<vmem>>
      %dma_start3A_247 = tpu.memref_squeeze %dma_start3A_246 : memref<1x128xi32, #tpu.memory_space<vmem>> -> memref<128xi32, #tpu.memory_space<vmem>>
      %dma_start3A_248 = tpu.memref_slice %arg5[%add3A_24] : memref<16384xi32, #tpu.memory_space<hbm>> -> memref<128xi32, #tpu.memory_space<hbm>>
      tpu.enqueue_dma source(%dma_start3A_248 : memref<128xi32, #tpu.memory_space<hbm>>) target(%dma_start3A_247 : memref<128xi32, #tpu.memory_space<vmem>>) target_semaphore(%run_scoped3A_240 : memref<!tpu.dma_semaphore, #tpu.memory_space<semaphore_mem>>)
      %dma_wait3A_249 = arith.constant 0 : i32
      %dma_wait3A_250 = tpu.memref_slice %arg10[%run_scoped3A_25, %dma_wait3A_249] : memref<4x128xi32, #tpu.memory_space<vmem>> -> memref<1x128xi32, #tpu.memory_space<vmem>>
      %dma_wait3A_251 = tpu.memref_squeeze %dma_wait3A_250 : memref<1x128xi32, #tpu.memory_space<vmem>> -> memref<128xi32, #tpu.memory_space<vmem>>
      %dma_wait3A_252 = tpu.memref_slice %arg5[%add3A_24] : memref<16384xi32, #tpu.memory_space<hbm>> -> memref<128xi32, #tpu.memory_space<hbm>>
      %dma_wait3A_253 = arith.constant 0 : i32
      %dma_wait3A_254 = tpu.memref_slice %arg10[%run_scoped3A_25, %dma_wait3A_253] : memref<4x128xi32, #tpu.memory_space<vmem>> -> memref<1x128xi32, #tpu.memory_space<vmem>>
      %dma_wait3A_255 = tpu.memref_squeeze %dma_wait3A_254 : memref<1x128xi32, #tpu.memory_space<vmem>> -> memref<128xi32, #tpu.memory_space<vmem>>
      %dma_wait3A_256 = tpu.memref_slice %arg5[%add3A_24] : memref<16384xi32, #tpu.memory_space<hbm>> -> memref<128xi32, #tpu.memory_space<hbm>>
      tpu.wait_dma2 semaphore(%run_scoped3A_240 : memref<!tpu.dma_semaphore, #tpu.memory_space<semaphore_mem>>) src(%dma_wait3A_256 : memref<128xi32, #tpu.memory_space<hbm>>) dst(%dma_wait3A_255 : memref<128xi32, #tpu.memory_space<vmem>>)
      tpu.yield
    }) : () -> ()
    %dma_start3A = arith.constant 0 : i32
    %dma_start3A_26 = arith.constant 0 : i32
    %dma_start3A_27 = arith.constant 0 : i32
    %dma_start3A_28 = arith.constant 0 : i32
    %dma_start3A_29 = tpu.memref_slice %arg9[%dma_start3A_26, %dma_start3A_27, %dma_start3A_28] : memref<2x128x128xf32, #tpu.memory_space<vmem>> -> memref<1x128x128xf32, #tpu.memory_space<vmem>>
    %dma_start3A_30 = tpu.memref_squeeze %dma_start3A_29 : memref<1x128x128xf32, #tpu.memory_space<vmem>> -> memref<128x128xf32, #tpu.memory_space<vmem>>
    %dma_start3A_31 = arith.constant 0 : i32
    %dma_start3A_32 = tpu.memref_slice %arg8[%dma_start3A, %dma_start3A_31] : memref<4x128xi32, #tpu.memory_space<vmem>> -> memref<1x128xi32, #tpu.memory_space<vmem>>
    %dma_start3A_33 = tpu.memref_squeeze %dma_start3A_32 : memref<1x128xi32, #tpu.memory_space<vmem>> -> memref<128xi32, #tpu.memory_space<vmem>>
    %dma_start3A_34 = arith.constant 0 : i32
    %dma_start3A_35 = arith.constant 0 : i32
    %dma_start3A_36 = tpu.memref_slice %arg2[%dma_start3A_34, %dma_start3A_35] : memref<1000001x128xf32, #tpu.memory_space<hbm>> -> memref<1000001x128xf32, #tpu.memory_space<hbm>>
    tpu.enqueue_indirect_dma source(%dma_start3A_36 : memref<1000001x128xf32, #tpu.memory_space<hbm>>) target(%dma_start3A_30 : memref<128x128xf32, #tpu.memory_space<vmem>>) offsets(%dma_start3A_33 : memref<128xi32, #tpu.memory_space<vmem>>) semaphore(%arg12 : memref<!tpu.dma_semaphore, #tpu.memory_space<semaphore_mem>>)
    %dma_start3A_37 = arith.constant 0 : i32
    %dma_start3A_38 = arith.constant 0 : i32
    %dma_start3A_39 = arith.constant 0 : i32
    %dma_start3A_40 = arith.constant 0 : i32
    %dma_start3A_41 = tpu.memref_slice %arg11[%dma_start3A_38, %dma_start3A_39, %dma_start3A_40] : memref<2x128x128xf32, #tpu.memory_space<vmem>> -> memref<1x128x128xf32, #tpu.memory_space<vmem>>
    %dma_start3A_42 = tpu.memref_squeeze %dma_start3A_41 : memref<1x128x128xf32, #tpu.memory_space<vmem>> -> memref<128x128xf32, #tpu.memory_space<vmem>>
    %dma_start3A_43 = arith.constant 0 : i32
    %dma_start3A_44 = tpu.memref_slice %arg10[%dma_start3A_37, %dma_start3A_43] : memref<4x128xi32, #tpu.memory_space<vmem>> -> memref<1x128xi32, #tpu.memory_space<vmem>>
    %dma_start3A_45 = tpu.memref_squeeze %dma_start3A_44 : memref<1x128xi32, #tpu.memory_space<vmem>> -> memref<128xi32, #tpu.memory_space<vmem>>
    %dma_start3A_46 = arith.constant 0 : i32
    %dma_start3A_47 = arith.constant 0 : i32
    %dma_start3A_48 = tpu.memref_slice %arg4[%dma_start3A_46, %dma_start3A_47] : memref<1002x128xf32, #tpu.memory_space<hbm>> -> memref<1002x128xf32, #tpu.memory_space<hbm>>
    tpu.enqueue_indirect_dma source(%dma_start3A_48 : memref<1002x128xf32, #tpu.memory_space<hbm>>) target(%dma_start3A_42 : memref<128x128xf32, #tpu.memory_space<vmem>>) offsets(%dma_start3A_45 : memref<128xi32, #tpu.memory_space<vmem>>) semaphore(%arg13 : memref<!tpu.dma_semaphore, #tpu.memory_space<semaphore_mem>>)
    %dma_start3A_49 = arith.constant 1 : i32
    %dma_start3A_50 = arith.constant 1 : i32
    %dma_start3A_51 = arith.constant 0 : i32
    %dma_start3A_52 = arith.constant 0 : i32
    %dma_start3A_53 = tpu.memref_slice %arg9[%dma_start3A_50, %dma_start3A_51, %dma_start3A_52] : memref<2x128x128xf32, #tpu.memory_space<vmem>> -> memref<1x128x128xf32, #tpu.memory_space<vmem>>
    %dma_start3A_54 = tpu.memref_squeeze %dma_start3A_53 : memref<1x128x128xf32, #tpu.memory_space<vmem>> -> memref<128x128xf32, #tpu.memory_space<vmem>>
    %dma_start3A_55 = arith.constant 0 : i32
    %dma_start3A_56 = tpu.memref_slice %arg8[%dma_start3A_49, %dma_start3A_55] : memref<4x128xi32, #tpu.memory_space<vmem>> -> memref<1x128xi32, #tpu.memory_space<vmem>>
    %dma_start3A_57 = tpu.memref_squeeze %dma_start3A_56 : memref<1x128xi32, #tpu.memory_space<vmem>> -> memref<128xi32, #tpu.memory_space<vmem>>
    %dma_start3A_58 = arith.constant 0 : i32
    %dma_start3A_59 = arith.constant 0 : i32
    %dma_start3A_60 = tpu.memref_slice %arg2[%dma_start3A_58, %dma_start3A_59] : memref<1000001x128xf32, #tpu.memory_space<hbm>> -> memref<1000001x128xf32, #tpu.memory_space<hbm>>
    tpu.enqueue_indirect_dma source(%dma_start3A_60 : memref<1000001x128xf32, #tpu.memory_space<hbm>>) target(%dma_start3A_54 : memref<128x128xf32, #tpu.memory_space<vmem>>) offsets(%dma_start3A_57 : memref<128xi32, #tpu.memory_space<vmem>>) semaphore(%arg12 : memref<!tpu.dma_semaphore, #tpu.memory_space<semaphore_mem>>)
    %dma_start3A_61 = arith.constant 1 : i32
    %dma_start3A_62 = arith.constant 1 : i32
    %dma_start3A_63 = arith.constant 0 : i32
    %dma_start3A_64 = arith.constant 0 : i32
    %dma_start3A_65 = tpu.memref_slice %arg11[%dma_start3A_62, %dma_start3A_63, %dma_start3A_64] : memref<2x128x128xf32, #tpu.memory_space<vmem>> -> memref<1x128x128xf32, #tpu.memory_space<vmem>>
    %dma_start3A_66 = tpu.memref_squeeze %dma_start3A_65 : memref<1x128x128xf32, #tpu.memory_space<vmem>> -> memref<128x128xf32, #tpu.memory_space<vmem>>
    %dma_start3A_67 = arith.constant 0 : i32
    %dma_start3A_68 = tpu.memref_slice %arg10[%dma_start3A_61, %dma_start3A_67] : memref<4x128xi32, #tpu.memory_space<vmem>> -> memref<1x128xi32, #tpu.memory_space<vmem>>
    %dma_start3A_69 = tpu.memref_squeeze %dma_start3A_68 : memref<1x128xi32, #tpu.memory_space<vmem>> -> memref<128xi32, #tpu.memory_space<vmem>>
    %dma_start3A_70 = arith.constant 0 : i32
    %dma_start3A_71 = arith.constant 0 : i32
    %dma_start3A_72 = tpu.memref_slice %arg4[%dma_start3A_70, %dma_start3A_71] : memref<1002x128xf32, #tpu.memory_space<hbm>> -> memref<1002x128xf32, #tpu.memory_space<hbm>>
    tpu.enqueue_indirect_dma source(%dma_start3A_72 : memref<1002x128xf32, #tpu.memory_space<hbm>>) target(%dma_start3A_66 : memref<128x128xf32, #tpu.memory_space<vmem>>) offsets(%dma_start3A_69 : memref<128xi32, #tpu.memory_space<vmem>>) semaphore(%arg13 : memref<!tpu.dma_semaphore, #tpu.memory_space<semaphore_mem>>)
    %dma_wait3A = arith.constant 0 : i32
    %dma_wait3A_73 = arith.constant 0 : i32
    %dma_wait3A_74 = arith.constant 0 : i32
    %dma_wait3A_75 = arith.constant 0 : i32
    %dma_wait3A_76 = tpu.memref_slice %arg9[%dma_wait3A_73, %dma_wait3A_74, %dma_wait3A_75] : memref<2x128x128xf32, #tpu.memory_space<vmem>> -> memref<1x128x128xf32, #tpu.memory_space<vmem>>
    %dma_wait3A_77 = tpu.memref_squeeze %dma_wait3A_76 : memref<1x128x128xf32, #tpu.memory_space<vmem>> -> memref<128x128xf32, #tpu.memory_space<vmem>>
    %dma_wait3A_78 = arith.constant 0 : i32
    %dma_wait3A_79 = tpu.memref_slice %arg8[%dma_wait3A, %dma_wait3A_78] : memref<4x128xi32, #tpu.memory_space<vmem>> -> memref<1x128xi32, #tpu.memory_space<vmem>>
    %dma_wait3A_80 = tpu.memref_squeeze %dma_wait3A_79 : memref<1x128xi32, #tpu.memory_space<vmem>> -> memref<128xi32, #tpu.memory_space<vmem>>
    %dma_wait3A_81 = arith.constant 0 : i32
    %dma_wait3A_82 = arith.constant 0 : i32
    %dma_wait3A_83 = tpu.memref_slice %arg2[%dma_wait3A_81, %dma_wait3A_82] : memref<1000001x128xf32, #tpu.memory_space<hbm>> -> memref<1000001x128xf32, #tpu.memory_space<hbm>>
    tpu.wait_indirect_dma semaphore(%arg12 : memref<!tpu.dma_semaphore, #tpu.memory_space<semaphore_mem>>) src(%dma_wait3A_83 : memref<1000001x128xf32, #tpu.memory_space<hbm>>) dst(%dma_wait3A_77 : memref<128x128xf32, #tpu.memory_space<vmem>>)
    %add3A_84 = arith.constant 0 : i32
    %add3A_85 = arith.addi %mul3A_2, %add3A_84 : i32
    %run_scoped3A_86 = arith.constant 0 : i32
    "tpu.region"() ({
      %run_scoped3A_240 = tpu.sem_alloc : memref<!tpu.dma_semaphore, #tpu.memory_space<semaphore_mem>>
      %dma_start3A_241 = arith.constant 0 : i32
      %dma_start3A_242 = arith.constant 0 : i32
      %dma_start3A_243 = tpu.memref_slice %arg9[%run_scoped3A_86, %dma_start3A_241, %dma_start3A_242] : memref<2x128x128xf32, #tpu.memory_space<vmem>> -> memref<1x128x128xf32, #tpu.memory_space<vmem>>
      %dma_start3A_244 = tpu.memref_squeeze %dma_start3A_243 : memref<1x128x128xf32, #tpu.memory_space<vmem>> -> memref<128x128xf32, #tpu.memory_space<vmem>>
      %dma_start3A_245 = arith.constant 0 : i32
      %dma_start3A_246 = tpu.memref_slice %arg6[%add3A_85, %dma_start3A_245] : memref<16384x128xf32, #tpu.memory_space<hbm>> -> memref<128x128xf32, #tpu.memory_space<hbm>>
      %dma_start3A_247 = arith.constant 0 : i32
      %dma_start3A_248 = tpu.memref_slice %arg6[%add3A_85, %dma_start3A_247] : memref<16384x128xf32, #tpu.memory_space<hbm>> -> memref<128x128xf32, #tpu.memory_space<hbm>>
      %dma_start3A_249 = arith.constant 0 : i32
      %dma_start3A_250 = arith.constant 0 : i32
      %dma_start3A_251 = tpu.memref_slice %arg9[%run_scoped3A_86, %dma_start3A_249, %dma_start3A_250] : memref<2x128x128xf32, #tpu.memory_space<vmem>> -> memref<1x128x128xf32, #tpu.memory_space<vmem>>
      %dma_start3A_252 = tpu.memref_squeeze %dma_start3A_251 : memref<1x128x128xf32, #tpu.memory_space<vmem>> -> memref<128x128xf32, #tpu.memory_space<vmem>>
      tpu.enqueue_dma source(%dma_start3A_252 : memref<128x128xf32, #tpu.memory_space<vmem>>) target(%dma_start3A_248 : memref<128x128xf32, #tpu.memory_space<hbm>>) target_semaphore(%run_scoped3A_240 : memref<!tpu.dma_semaphore, #tpu.memory_space<semaphore_mem>>)
      %dma_wait3A_253 = arith.constant 0 : i32
      %dma_wait3A_254 = arith.constant 0 : i32
      %dma_wait3A_255 = tpu.memref_slice %arg9[%run_scoped3A_86, %dma_wait3A_253, %dma_wait3A_254] : memref<2x128x128xf32, #tpu.memory_space<vmem>> -> memref<1x128x128xf32, #tpu.memory_space<vmem>>
      %dma_wait3A_256 = tpu.memref_squeeze %dma_wait3A_255 : memref<1x128x128xf32, #tpu.memory_space<vmem>> -> memref<128x128xf32, #tpu.memory_space<vmem>>
      %dma_wait3A_257 = arith.constant 0 : i32
      %dma_wait3A_258 = tpu.memref_slice %arg6[%add3A_85, %dma_wait3A_257] : memref<16384x128xf32, #tpu.memory_space<hbm>> -> memref<128x128xf32, #tpu.memory_space<hbm>>
      %dma_wait3A_259 = arith.constant 0 : i32
      %dma_wait3A_260 = tpu.memref_slice %arg6[%add3A_85, %dma_wait3A_259] : memref<16384x128xf32, #tpu.memory_space<hbm>> -> memref<128x128xf32, #tpu.memory_space<hbm>>
      %dma_wait3A_261 = arith.constant 0 : i32
      %dma_wait3A_262 = arith.constant 0 : i32
      %dma_wait3A_263 = tpu.memref_slice %arg9[%run_scoped3A_86, %dma_wait3A_261, %dma_wait3A_262] : memref<2x128x128xf32, #tpu.memory_space<vmem>> -> memref<1x128x128xf32, #tpu.memory_space<vmem>>
      %dma_wait3A_264 = tpu.memref_squeeze %dma_wait3A_263 : memref<1x128x128xf32, #tpu.memory_space<vmem>> -> memref<128x128xf32, #tpu.memory_space<vmem>>
      tpu.wait_dma2 semaphore(%run_scoped3A_240 : memref<!tpu.dma_semaphore, #tpu.memory_space<semaphore_mem>>) src(%dma_wait3A_264 : memref<128x128xf32, #tpu.memory_space<vmem>>) dst(%dma_wait3A_260 : memref<128x128xf32, #tpu.memory_space<hbm>>)
      tpu.yield
    }) : () -> ()
    %dma_wait3A_87 = arith.constant 0 : i32
    %dma_wait3A_88 = arith.constant 0 : i32
    %dma_wait3A_89 = arith.constant 0 : i32
    %dma_wait3A_90 = arith.constant 0 : i32
    %dma_wait3A_91 = tpu.memref_slice %arg11[%dma_wait3A_88, %dma_wait3A_89, %dma_wait3A_90] : memref<2x128x128xf32, #tpu.memory_space<vmem>> -> memref<1x128x128xf32, #tpu.memory_space<vmem>>
    %dma_wait3A_92 = tpu.memref_squeeze %dma_wait3A_91 : memref<1x128x128xf32, #tpu.memory_space<vmem>> -> memref<128x128xf32, #tpu.memory_space<vmem>>
    %dma_wait3A_93 = arith.constant 0 : i32
    %dma_wait3A_94 = tpu.memref_slice %arg10[%dma_wait3A_87, %dma_wait3A_93] : memref<4x128xi32, #tpu.memory_space<vmem>> -> memref<1x128xi32, #tpu.memory_space<vmem>>
    %dma_wait3A_95 = tpu.memref_squeeze %dma_wait3A_94 : memref<1x128xi32, #tpu.memory_space<vmem>> -> memref<128xi32, #tpu.memory_space<vmem>>
    %dma_wait3A_96 = arith.constant 0 : i32
    %dma_wait3A_97 = arith.constant 0 : i32
    %dma_wait3A_98 = tpu.memref_slice %arg4[%dma_wait3A_96, %dma_wait3A_97] : memref<1002x128xf32, #tpu.memory_space<hbm>> -> memref<1002x128xf32, #tpu.memory_space<hbm>>
    tpu.wait_indirect_dma semaphore(%arg13 : memref<!tpu.dma_semaphore, #tpu.memory_space<semaphore_mem>>) src(%dma_wait3A_98 : memref<1002x128xf32, #tpu.memory_space<hbm>>) dst(%dma_wait3A_92 : memref<128x128xf32, #tpu.memory_space<vmem>>)
    %add3A_99 = arith.constant 0 : i32
    %add3A_100 = arith.addi %mul3A_2, %add3A_99 : i32
    %run_scoped3A_101 = arith.constant 0 : i32
    "tpu.region"() ({
      %run_scoped3A_240 = tpu.sem_alloc : memref<!tpu.dma_semaphore, #tpu.memory_space<semaphore_mem>>
      %dma_start3A_241 = arith.constant 0 : i32
      %dma_start3A_242 = arith.constant 0 : i32
      %dma_start3A_243 = tpu.memref_slice %arg11[%run_scoped3A_101, %dma_start3A_241, %dma_start3A_242] : memref<2x128x128xf32, #tpu.memory_space<vmem>> -> memref<1x128x128xf32, #tpu.memory_space<vmem>>
      %dma_start3A_244 = tpu.memref_squeeze %dma_start3A_243 : memref<1x128x128xf32, #tpu.memory_space<vmem>> -> memref<128x128xf32, #tpu.memory_space<vmem>>
      %dma_start3A_245 = arith.constant 0 : i32
      %dma_start3A_246 = tpu.memref_slice %arg7[%add3A_100, %dma_start3A_245] : memref<16384x128xf32, #tpu.memory_space<hbm>> -> memref<128x128xf32, #tpu.memory_space<hbm>>
      %dma_start3A_247 = arith.constant 0 : i32
      %dma_start3A_248 = tpu.memref_slice %arg7[%add3A_100, %dma_start3A_247] : memref<16384x128xf32, #tpu.memory_space<hbm>> -> memref<128x128xf32, #tpu.memory_space<hbm>>
      %dma_start3A_249 = arith.constant 0 : i32
      %dma_start3A_250 = arith.constant 0 : i32
      %dma_start3A_251 = tpu.memref_slice %arg11[%run_scoped3A_101, %dma_start3A_249, %dma_start3A_250] : memref<2x128x128xf32, #tpu.memory_space<vmem>> -> memref<1x128x128xf32, #tpu.memory_space<vmem>>
      %dma_start3A_252 = tpu.memref_squeeze %dma_start3A_251 : memref<1x128x128xf32, #tpu.memory_space<vmem>> -> memref<128x128xf32, #tpu.memory_space<vmem>>
      tpu.enqueue_dma source(%dma_start3A_252 : memref<128x128xf32, #tpu.memory_space<vmem>>) target(%dma_start3A_248 : memref<128x128xf32, #tpu.memory_space<hbm>>) target_semaphore(%run_scoped3A_240 : memref<!tpu.dma_semaphore, #tpu.memory_space<semaphore_mem>>)
      %dma_wait3A_253 = arith.constant 0 : i32
      %dma_wait3A_254 = arith.constant 0 : i32
      %dma_wait3A_255 = tpu.memref_slice %arg11[%run_scoped3A_101, %dma_wait3A_253, %dma_wait3A_254] : memref<2x128x128xf32, #tpu.memory_space<vmem>> -> memref<1x128x128xf32, #tpu.memory_space<vmem>>
      %dma_wait3A_256 = tpu.memref_squeeze %dma_wait3A_255 : memref<1x128x128xf32, #tpu.memory_space<vmem>> -> memref<128x128xf32, #tpu.memory_space<vmem>>
      %dma_wait3A_257 = arith.constant 0 : i32
      %dma_wait3A_258 = tpu.memref_slice %arg7[%add3A_100, %dma_wait3A_257] : memref<16384x128xf32, #tpu.memory_space<hbm>> -> memref<128x128xf32, #tpu.memory_space<hbm>>
      %dma_wait3A_259 = arith.constant 0 : i32
      %dma_wait3A_260 = tpu.memref_slice %arg7[%add3A_100, %dma_wait3A_259] : memref<16384x128xf32, #tpu.memory_space<hbm>> -> memref<128x128xf32, #tpu.memory_space<hbm>>
      %dma_wait3A_261 = arith.constant 0 : i32
      %dma_wait3A_262 = arith.constant 0 : i32
      %dma_wait3A_263 = tpu.memref_slice %arg11[%run_scoped3A_101, %dma_wait3A_261, %dma_wait3A_262] : memref<2x128x128xf32, #tpu.memory_space<vmem>> -> memref<1x128x128xf32, #tpu.memory_space<vmem>>
      %dma_wait3A_264 = tpu.memref_squeeze %dma_wait3A_263 : memref<1x128x128xf32, #tpu.memory_space<vmem>> -> memref<128x128xf32, #tpu.memory_space<vmem>>
      tpu.wait_dma2 semaphore(%run_scoped3A_240 : memref<!tpu.dma_semaphore, #tpu.memory_space<semaphore_mem>>) src(%dma_wait3A_264 : memref<128x128xf32, #tpu.memory_space<vmem>>) dst(%dma_wait3A_260 : memref<128x128xf32, #tpu.memory_space<hbm>>)
      tpu.yield
    }) : () -> ()
    %dma_start3A_102 = arith.constant 2 : i32
    %dma_start3A_103 = arith.constant 0 : i32
    %dma_start3A_104 = arith.constant 0 : i32
    %dma_start3A_105 = arith.constant 0 : i32
    %dma_start3A_106 = tpu.memref_slice %arg9[%dma_start3A_103, %dma_start3A_104, %dma_start3A_105] : memref<2x128x128xf32, #tpu.memory_space<vmem>> -> memref<1x128x128xf32, #tpu.memory_space<vmem>>
    %dma_start3A_107 = tpu.memref_squeeze %dma_start3A_106 : memref<1x128x128xf32, #tpu.memory_space<vmem>> -> memref<128x128xf32, #tpu.memory_space<vmem>>
    %dma_start3A_108 = arith.constant 0 : i32
    %dma_start3A_109 = tpu.memref_slice %arg8[%dma_start3A_102, %dma_start3A_108] : memref<4x128xi32, #tpu.memory_space<vmem>> -> memref<1x128xi32, #tpu.memory_space<vmem>>
    %dma_start3A_110 = tpu.memref_squeeze %dma_start3A_109 : memref<1x128xi32, #tpu.memory_space<vmem>> -> memref<128xi32, #tpu.memory_space<vmem>>
    %dma_start3A_111 = arith.constant 0 : i32
    %dma_start3A_112 = arith.constant 0 : i32
    %dma_start3A_113 = tpu.memref_slice %arg2[%dma_start3A_111, %dma_start3A_112] : memref<1000001x128xf32, #tpu.memory_space<hbm>> -> memref<1000001x128xf32, #tpu.memory_space<hbm>>
    tpu.enqueue_indirect_dma source(%dma_start3A_113 : memref<1000001x128xf32, #tpu.memory_space<hbm>>) target(%dma_start3A_107 : memref<128x128xf32, #tpu.memory_space<vmem>>) offsets(%dma_start3A_110 : memref<128xi32, #tpu.memory_space<vmem>>) semaphore(%arg12 : memref<!tpu.dma_semaphore, #tpu.memory_space<semaphore_mem>>)
    %dma_start3A_114 = arith.constant 2 : i32
    %dma_start3A_115 = arith.constant 0 : i32
    %dma_start3A_116 = arith.constant 0 : i32
    %dma_start3A_117 = arith.constant 0 : i32
    %dma_start3A_118 = tpu.memref_slice %arg11[%dma_start3A_115, %dma_start3A_116, %dma_start3A_117] : memref<2x128x128xf32, #tpu.memory_space<vmem>> -> memref<1x128x128xf32, #tpu.memory_space<vmem>>
    %dma_start3A_119 = tpu.memref_squeeze %dma_start3A_118 : memref<1x128x128xf32, #tpu.memory_space<vmem>> -> memref<128x128xf32, #tpu.memory_space<vmem>>
    %dma_start3A_120 = arith.constant 0 : i32
    %dma_start3A_121 = tpu.memref_slice %arg10[%dma_start3A_114, %dma_start3A_120] : memref<4x128xi32, #tpu.memory_space<vmem>> -> memref<1x128xi32, #tpu.memory_space<vmem>>
    %dma_start3A_122 = tpu.memref_squeeze %dma_start3A_121 : memref<1x128xi32, #tpu.memory_space<vmem>> -> memref<128xi32, #tpu.memory_space<vmem>>
    %dma_start3A_123 = arith.constant 0 : i32
    %dma_start3A_124 = arith.constant 0 : i32
    %dma_start3A_125 = tpu.memref_slice %arg4[%dma_start3A_123, %dma_start3A_124] : memref<1002x128xf32, #tpu.memory_space<hbm>> -> memref<1002x128xf32, #tpu.memory_space<hbm>>
    tpu.enqueue_indirect_dma source(%dma_start3A_125 : memref<1002x128xf32, #tpu.memory_space<hbm>>) target(%dma_start3A_119 : memref<128x128xf32, #tpu.memory_space<vmem>>) offsets(%dma_start3A_122 : memref<128xi32, #tpu.memory_space<vmem>>) semaphore(%arg13 : memref<!tpu.dma_semaphore, #tpu.memory_space<semaphore_mem>>)
    %dma_wait3A_126 = arith.constant 1 : i32
    %dma_wait3A_127 = arith.constant 1 : i32
    %dma_wait3A_128 = arith.constant 0 : i32
    %dma_wait3A_129 = arith.constant 0 : i32
    %dma_wait3A_130 = tpu.memref_slice %arg9[%dma_wait3A_127, %dma_wait3A_128, %dma_wait3A_129] : memref<2x128x128xf32, #tpu.memory_space<vmem>> -> memref<1x128x128xf32, #tpu.memory_space<vmem>>
    %dma_wait3A_131 = tpu.memref_squeeze %dma_wait3A_130 : memref<1x128x128xf32, #tpu.memory_space<vmem>> -> memref<128x128xf32, #tpu.memory_space<vmem>>
    %dma_wait3A_132 = arith.constant 0 : i32
    %dma_wait3A_133 = tpu.memref_slice %arg8[%dma_wait3A_126, %dma_wait3A_132] : memref<4x128xi32, #tpu.memory_space<vmem>> -> memref<1x128xi32, #tpu.memory_space<vmem>>
    %dma_wait3A_134 = tpu.memref_squeeze %dma_wait3A_133 : memref<1x128xi32, #tpu.memory_space<vmem>> -> memref<128xi32, #tpu.memory_space<vmem>>
    %dma_wait3A_135 = arith.constant 0 : i32
    %dma_wait3A_136 = arith.constant 0 : i32
    %dma_wait3A_137 = tpu.memref_slice %arg2[%dma_wait3A_135, %dma_wait3A_136] : memref<1000001x128xf32, #tpu.memory_space<hbm>> -> memref<1000001x128xf32, #tpu.memory_space<hbm>>
    tpu.wait_indirect_dma semaphore(%arg12 : memref<!tpu.dma_semaphore, #tpu.memory_space<semaphore_mem>>) src(%dma_wait3A_137 : memref<1000001x128xf32, #tpu.memory_space<hbm>>) dst(%dma_wait3A_131 : memref<128x128xf32, #tpu.memory_space<vmem>>)
    %add3A_138 = arith.constant 128 : i32
    %add3A_139 = arith.addi %mul3A_2, %add3A_138 : i32
    %run_scoped3A_140 = arith.constant 1 : i32
    "tpu.region"() ({
      %run_scoped3A_240 = tpu.sem_alloc : memref<!tpu.dma_semaphore, #tpu.memory_space<semaphore_mem>>
      %dma_start3A_241 = arith.constant 0 : i32
      %dma_start3A_242 = arith.constant 0 : i32
      %dma_start3A_243 = tpu.memref_slice %arg9[%run_scoped3A_140, %dma_start3A_241, %dma_start3A_242] : memref<2x128x128xf32, #tpu.memory_space<vmem>> -> memref<1x128x128xf32, #tpu.memory_space<vmem>>
      %dma_start3A_244 = tpu.memref_squeeze %dma_start3A_243 : memref<1x128x128xf32, #tpu.memory_space<vmem>> -> memref<128x128xf32, #tpu.memory_space<vmem>>
      %dma_start3A_245 = arith.constant 0 : i32
      %dma_start3A_246 = tpu.memref_slice %arg6[%add3A_139, %dma_start3A_245] : memref<16384x128xf32, #tpu.memory_space<hbm>> -> memref<128x128xf32, #tpu.memory_space<hbm>>
      %dma_start3A_247 = arith.constant 0 : i32
      %dma_start3A_248 = tpu.memref_slice %arg6[%add3A_139, %dma_start3A_247] : memref<16384x128xf32, #tpu.memory_space<hbm>> -> memref<128x128xf32, #tpu.memory_space<hbm>>
      %dma_start3A_249 = arith.constant 0 : i32
      %dma_start3A_250 = arith.constant 0 : i32
      %dma_start3A_251 = tpu.memref_slice %arg9[%run_scoped3A_140, %dma_start3A_249, %dma_start3A_250] : memref<2x128x128xf32, #tpu.memory_space<vmem>> -> memref<1x128x128xf32, #tpu.memory_space<vmem>>
      %dma_start3A_252 = tpu.memref_squeeze %dma_start3A_251 : memref<1x128x128xf32, #tpu.memory_space<vmem>> -> memref<128x128xf32, #tpu.memory_space<vmem>>
      tpu.enqueue_dma source(%dma_start3A_252 : memref<128x128xf32, #tpu.memory_space<vmem>>) target(%dma_start3A_248 : memref<128x128xf32, #tpu.memory_space<hbm>>) target_semaphore(%run_scoped3A_240 : memref<!tpu.dma_semaphore, #tpu.memory_space<semaphore_mem>>)
      %dma_wait3A_253 = arith.constant 0 : i32
      %dma_wait3A_254 = arith.constant 0 : i32
      %dma_wait3A_255 = tpu.memref_slice %arg9[%run_scoped3A_140, %dma_wait3A_253, %dma_wait3A_254] : memref<2x128x128xf32, #tpu.memory_space<vmem>> -> memref<1x128x128xf32, #tpu.memory_space<vmem>>
      %dma_wait3A_256 = tpu.memref_squeeze %dma_wait3A_255 : memref<1x128x128xf32, #tpu.memory_space<vmem>> -> memref<128x128xf32, #tpu.memory_space<vmem>>
      %dma_wait3A_257 = arith.constant 0 : i32
      %dma_wait3A_258 = tpu.memref_slice %arg6[%add3A_139, %dma_wait3A_257] : memref<16384x128xf32, #tpu.memory_space<hbm>> -> memref<128x128xf32, #tpu.memory_space<hbm>>
      %dma_wait3A_259 = arith.constant 0 : i32
      %dma_wait3A_260 = tpu.memref_slice %arg6[%add3A_139, %dma_wait3A_259] : memref<16384x128xf32, #tpu.memory_space<hbm>> -> memref<128x128xf32, #tpu.memory_space<hbm>>
      %dma_wait3A_261 = arith.constant 0 : i32
      %dma_wait3A_262 = arith.constant 0 : i32
      %dma_wait3A_263 = tpu.memref_slice %arg9[%run_scoped3A_140, %dma_wait3A_261, %dma_wait3A_262] : memref<2x128x128xf32, #tpu.memory_space<vmem>> -> memref<1x128x128xf32, #tpu.memory_space<vmem>>
      %dma_wait3A_264 = tpu.memref_squeeze %dma_wait3A_263 : memref<1x128x128xf32, #tpu.memory_space<vmem>> -> memref<128x128xf32, #tpu.memory_space<vmem>>
      tpu.wait_dma2 semaphore(%run_scoped3A_240 : memref<!tpu.dma_semaphore, #tpu.memory_space<semaphore_mem>>) src(%dma_wait3A_264 : memref<128x128xf32, #tpu.memory_space<vmem>>) dst(%dma_wait3A_260 : memref<128x128xf32, #tpu.memory_space<hbm>>)
      tpu.yield
    }) : () -> ()
    %dma_wait3A_141 = arith.constant 1 : i32
    %dma_wait3A_142 = arith.constant 1 : i32
    %dma_wait3A_143 = arith.constant 0 : i32
    %dma_wait3A_144 = arith.constant 0 : i32
    %dma_wait3A_145 = tpu.memref_slice %arg11[%dma_wait3A_142, %dma_wait3A_143, %dma_wait3A_144] : memref<2x128x128xf32, #tpu.memory_space<vmem>> -> memref<1x128x128xf32, #tpu.memory_space<vmem>>
    %dma_wait3A_146 = tpu.memref_squeeze %dma_wait3A_145 : memref<1x128x128xf32, #tpu.memory_space<vmem>> -> memref<128x128xf32, #tpu.memory_space<vmem>>
    %dma_wait3A_147 = arith.constant 0 : i32
    %dma_wait3A_148 = tpu.memref_slice %arg10[%dma_wait3A_141, %dma_wait3A_147] : memref<4x128xi32, #tpu.memory_space<vmem>> -> memref<1x128xi32, #tpu.memory_space<vmem>>
    %dma_wait3A_149 = tpu.memref_squeeze %dma_wait3A_148 : memref<1x128xi32, #tpu.memory_space<vmem>> -> memref<128xi32, #tpu.memory_space<vmem>>
    %dma_wait3A_150 = arith.constant 0 : i32
    %dma_wait3A_151 = arith.constant 0 : i32
    %dma_wait3A_152 = tpu.memref_slice %arg4[%dma_wait3A_150, %dma_wait3A_151] : memref<1002x128xf32, #tpu.memory_space<hbm>> -> memref<1002x128xf32, #tpu.memory_space<hbm>>
    tpu.wait_indirect_dma semaphore(%arg13 : memref<!tpu.dma_semaphore, #tpu.memory_space<semaphore_mem>>) src(%dma_wait3A_152 : memref<1002x128xf32, #tpu.memory_space<hbm>>) dst(%dma_wait3A_146 : memref<128x128xf32, #tpu.memory_space<vmem>>)
    %add3A_153 = arith.constant 128 : i32
    %add3A_154 = arith.addi %mul3A_2, %add3A_153 : i32
    %run_scoped3A_155 = arith.constant 1 : i32
    "tpu.region"() ({
      %run_scoped3A_240 = tpu.sem_alloc : memref<!tpu.dma_semaphore, #tpu.memory_space<semaphore_mem>>
      %dma_start3A_241 = arith.constant 0 : i32
      %dma_start3A_242 = arith.constant 0 : i32
      %dma_start3A_243 = tpu.memref_slice %arg11[%run_scoped3A_155, %dma_start3A_241, %dma_start3A_242] : memref<2x128x128xf32, #tpu.memory_space<vmem>> -> memref<1x128x128xf32, #tpu.memory_space<vmem>>
      %dma_start3A_244 = tpu.memref_squeeze %dma_start3A_243 : memref<1x128x128xf32, #tpu.memory_space<vmem>> -> memref<128x128xf32, #tpu.memory_space<vmem>>
      %dma_start3A_245 = arith.constant 0 : i32
      %dma_start3A_246 = tpu.memref_slice %arg7[%add3A_154, %dma_start3A_245] : memref<16384x128xf32, #tpu.memory_space<hbm>> -> memref<128x128xf32, #tpu.memory_space<hbm>>
      %dma_start3A_247 = arith.constant 0 : i32
      %dma_start3A_248 = tpu.memref_slice %arg7[%add3A_154, %dma_start3A_247] : memref<16384x128xf32, #tpu.memory_space<hbm>> -> memref<128x128xf32, #tpu.memory_space<hbm>>
      %dma_start3A_249 = arith.constant 0 : i32
      %dma_start3A_250 = arith.constant 0 : i32
      %dma_start3A_251 = tpu.memref_slice %arg11[%run_scoped3A_155, %dma_start3A_249, %dma_start3A_250] : memref<2x128x128xf32, #tpu.memory_space<vmem>> -> memref<1x128x128xf32, #tpu.memory_space<vmem>>
      %dma_start3A_252 = tpu.memref_squeeze %dma_start3A_251 : memref<1x128x128xf32, #tpu.memory_space<vmem>> -> memref<128x128xf32, #tpu.memory_space<vmem>>
      tpu.enqueue_dma source(%dma_start3A_252 : memref<128x128xf32, #tpu.memory_space<vmem>>) target(%dma_start3A_248 : memref<128x128xf32, #tpu.memory_space<hbm>>) target_semaphore(%run_scoped3A_240 : memref<!tpu.dma_semaphore, #tpu.memory_space<semaphore_mem>>)
      %dma_wait3A_253 = arith.constant 0 : i32
      %dma_wait3A_254 = arith.constant 0 : i32
      %dma_wait3A_255 = tpu.memref_slice %arg11[%run_scoped3A_155, %dma_wait3A_253, %dma_wait3A_254] : memref<2x128x128xf32, #tpu.memory_space<vmem>> -> memref<1x128x128xf32, #tpu.memory_space<vmem>>
      %dma_wait3A_256 = tpu.memref_squeeze %dma_wait3A_255 : memref<1x128x128xf32, #tpu.memory_space<vmem>> -> memref<128x128xf32, #tpu.memory_space<vmem>>
      %dma_wait3A_257 = arith.constant 0 : i32
      %dma_wait3A_258 = tpu.memref_slice %arg7[%add3A_154, %dma_wait3A_257] : memref<16384x128xf32, #tpu.memory_space<hbm>> -> memref<128x128xf32, #tpu.memory_space<hbm>>
      %dma_wait3A_259 = arith.constant 0 : i32
      %dma_wait3A_260 = tpu.memref_slice %arg7[%add3A_154, %dma_wait3A_259] : memref<16384x128xf32, #tpu.memory_space<hbm>> -> memref<128x128xf32, #tpu.memory_space<hbm>>
      %dma_wait3A_261 = arith.constant 0 : i32
      %dma_wait3A_262 = arith.constant 0 : i32
      %dma_wait3A_263 = tpu.memref_slice %arg11[%run_scoped3A_155, %dma_wait3A_261, %dma_wait3A_262] : memref<2x128x128xf32, #tpu.memory_space<vmem>> -> memref<1x128x128xf32, #tpu.memory_space<vmem>>
      %dma_wait3A_264 = tpu.memref_squeeze %dma_wait3A_263 : memref<1x128x128xf32, #tpu.memory_space<vmem>> -> memref<128x128xf32, #tpu.memory_space<vmem>>
      tpu.wait_dma2 semaphore(%run_scoped3A_240 : memref<!tpu.dma_semaphore, #tpu.memory_space<semaphore_mem>>) src(%dma_wait3A_264 : memref<128x128xf32, #tpu.memory_space<vmem>>) dst(%dma_wait3A_260 : memref<128x128xf32, #tpu.memory_space<hbm>>)
      tpu.yield
    }) : () -> ()
    %dma_start3A_156 = arith.constant 3 : i32
    %dma_start3A_157 = arith.constant 1 : i32
    %dma_start3A_158 = arith.constant 0 : i32
    %dma_start3A_159 = arith.constant 0 : i32
    %dma_start3A_160 = tpu.memref_slice %arg9[%dma_start3A_157, %dma_start3A_158, %dma_start3A_159] : memref<2x128x128xf32, #tpu.memory_space<vmem>> -> memref<1x128x128xf32, #tpu.memory_space<vmem>>
    %dma_start3A_161 = tpu.memref_squeeze %dma_start3A_160 : memref<1x128x128xf32, #tpu.memory_space<vmem>> -> memref<128x128xf32, #tpu.memory_space<vmem>>
    %dma_start3A_162 = arith.constant 0 : i32
    %dma_start3A_163 = tpu.memref_slice %arg8[%dma_start3A_156, %dma_start3A_162] : memref<4x128xi32, #tpu.memory_space<vmem>> -> memref<1x128xi32, #tpu.memory_space<vmem>>
    %dma_start3A_164 = tpu.memref_squeeze %dma_start3A_163 : memref<1x128xi32, #tpu.memory_space<vmem>> -> memref<128xi32, #tpu.memory_space<vmem>>
    %dma_start3A_165 = arith.constant 0 : i32
    %dma_start3A_166 = arith.constant 0 : i32
    %dma_start3A_167 = tpu.memref_slice %arg2[%dma_start3A_165, %dma_start3A_166] : memref<1000001x128xf32, #tpu.memory_space<hbm>> -> memref<1000001x128xf32, #tpu.memory_space<hbm>>
    tpu.enqueue_indirect_dma source(%dma_start3A_167 : memref<1000001x128xf32, #tpu.memory_space<hbm>>) target(%dma_start3A_161 : memref<128x128xf32, #tpu.memory_space<vmem>>) offsets(%dma_start3A_164 : memref<128xi32, #tpu.memory_space<vmem>>) semaphore(%arg12 : memref<!tpu.dma_semaphore, #tpu.memory_space<semaphore_mem>>)
    %dma_start3A_168 = arith.constant 3 : i32
    %dma_start3A_169 = arith.constant 1 : i32
    %dma_start3A_170 = arith.constant 0 : i32
    %dma_start3A_171 = arith.constant 0 : i32
    %dma_start3A_172 = tpu.memref_slice %arg11[%dma_start3A_169, %dma_start3A_170, %dma_start3A_171] : memref<2x128x128xf32, #tpu.memory_space<vmem>> -> memref<1x128x128xf32, #tpu.memory_space<vmem>>
    %dma_start3A_173 = tpu.memref_squeeze %dma_start3A_172 : memref<1x128x128xf32, #tpu.memory_space<vmem>> -> memref<128x128xf32, #tpu.memory_space<vmem>>
    %dma_start3A_174 = arith.constant 0 : i32
    %dma_start3A_175 = tpu.memref_slice %arg10[%dma_start3A_168, %dma_start3A_174] : memref<4x128xi32, #tpu.memory_space<vmem>> -> memref<1x128xi32, #tpu.memory_space<vmem>>
    %dma_start3A_176 = tpu.memref_squeeze %dma_start3A_175 : memref<1x128xi32, #tpu.memory_space<vmem>> -> memref<128xi32, #tpu.memory_space<vmem>>
    %dma_start3A_177 = arith.constant 0 : i32
    %dma_start3A_178 = arith.constant 0 : i32
    %dma_start3A_179 = tpu.memref_slice %arg4[%dma_start3A_177, %dma_start3A_178] : memref<1002x128xf32, #tpu.memory_space<hbm>> -> memref<1002x128xf32, #tpu.memory_space<hbm>>
    tpu.enqueue_indirect_dma source(%dma_start3A_179 : memref<1002x128xf32, #tpu.memory_space<hbm>>) target(%dma_start3A_173 : memref<128x128xf32, #tpu.memory_space<vmem>>) offsets(%dma_start3A_176 : memref<128xi32, #tpu.memory_space<vmem>>) semaphore(%arg13 : memref<!tpu.dma_semaphore, #tpu.memory_space<semaphore_mem>>)
    %dma_wait3A_180 = arith.constant 2 : i32
    %dma_wait3A_181 = arith.constant 0 : i32
    %dma_wait3A_182 = arith.constant 0 : i32
    %dma_wait3A_183 = arith.constant 0 : i32
    %dma_wait3A_184 = tpu.memref_slice %arg9[%dma_wait3A_181, %dma_wait3A_182, %dma_wait3A_183] : memref<2x128x128xf32, #tpu.memory_space<vmem>> -> memref<1x128x128xf32, #tpu.memory_space<vmem>>
    %dma_wait3A_185 = tpu.memref_squeeze %dma_wait3A_184 : memref<1x128x128xf32, #tpu.memory_space<vmem>> -> memref<128x128xf32, #tpu.memory_space<vmem>>
    %dma_wait3A_186 = arith.constant 0 : i32
    %dma_wait3A_187 = tpu.memref_slice %arg8[%dma_wait3A_180, %dma_wait3A_186] : memref<4x128xi32, #tpu.memory_space<vmem>> -> memref<1x128xi32, #tpu.memory_space<vmem>>
    %dma_wait3A_188 = tpu.memref_squeeze %dma_wait3A_187 : memref<1x128xi32, #tpu.memory_space<vmem>> -> memref<128xi32, #tpu.memory_space<vmem>>
    %dma_wait3A_189 = arith.constant 0 : i32
    %dma_wait3A_190 = arith.constant 0 : i32
    %dma_wait3A_191 = tpu.memref_slice %arg2[%dma_wait3A_189, %dma_wait3A_190] : memref<1000001x128xf32, #tpu.memory_space<hbm>> -> memref<1000001x128xf32, #tpu.memory_space<hbm>>
    tpu.wait_indirect_dma semaphore(%arg12 : memref<!tpu.dma_semaphore, #tpu.memory_space<semaphore_mem>>) src(%dma_wait3A_191 : memref<1000001x128xf32, #tpu.memory_space<hbm>>) dst(%dma_wait3A_185 : memref<128x128xf32, #tpu.memory_space<vmem>>)
    %add3A_192 = arith.constant 256 : i32
    %add3A_193 = arith.addi %mul3A_2, %add3A_192 : i32
    %run_scoped3A_194 = arith.constant 0 : i32
    "tpu.region"() ({
      %run_scoped3A_240 = tpu.sem_alloc : memref<!tpu.dma_semaphore, #tpu.memory_space<semaphore_mem>>
      %dma_start3A_241 = arith.constant 0 : i32
      %dma_start3A_242 = arith.constant 0 : i32
      %dma_start3A_243 = tpu.memref_slice %arg9[%run_scoped3A_194, %dma_start3A_241, %dma_start3A_242] : memref<2x128x128xf32, #tpu.memory_space<vmem>> -> memref<1x128x128xf32, #tpu.memory_space<vmem>>
      %dma_start3A_244 = tpu.memref_squeeze %dma_start3A_243 : memref<1x128x128xf32, #tpu.memory_space<vmem>> -> memref<128x128xf32, #tpu.memory_space<vmem>>
      %dma_start3A_245 = arith.constant 0 : i32
      %dma_start3A_246 = tpu.memref_slice %arg6[%add3A_193, %dma_start3A_245] : memref<16384x128xf32, #tpu.memory_space<hbm>> -> memref<128x128xf32, #tpu.memory_space<hbm>>
      %dma_start3A_247 = arith.constant 0 : i32
      %dma_start3A_248 = tpu.memref_slice %arg6[%add3A_193, %dma_start3A_247] : memref<16384x128xf32, #tpu.memory_space<hbm>> -> memref<128x128xf32, #tpu.memory_space<hbm>>
      %dma_start3A_249 = arith.constant 0 : i32
      %dma_start3A_250 = arith.constant 0 : i32
      %dma_start3A_251 = tpu.memref_slice %arg9[%run_scoped3A_194, %dma_start3A_249, %dma_start3A_250] : memref<2x128x128xf32, #tpu.memory_space<vmem>> -> memref<1x128x128xf32, #tpu.memory_space<vmem>>
      %dma_start3A_252 = tpu.memref_squeeze %dma_start3A_251 : memref<1x128x128xf32, #tpu.memory_space<vmem>> -> memref<128x128xf32, #tpu.memory_space<vmem>>
      tpu.enqueue_dma source(%dma_start3A_252 : memref<128x128xf32, #tpu.memory_space<vmem>>) target(%dma_start3A_248 : memref<128x128xf32, #tpu.memory_space<hbm>>) target_semaphore(%run_scoped3A_240 : memref<!tpu.dma_semaphore, #tpu.memory_space<semaphore_mem>>)
      %dma_wait3A_253 = arith.constant 0 : i32
      %dma_wait3A_254 = arith.constant 0 : i32
      %dma_wait3A_255 = tpu.memref_slice %arg9[%run_scoped3A_194, %dma_wait3A_253, %dma_wait3A_254] : memref<2x128x128xf32, #tpu.memory_space<vmem>> -> memref<1x128x128xf32, #tpu.memory_space<vmem>>
      %dma_wait3A_256 = tpu.memref_squeeze %dma_wait3A_255 : memref<1x128x128xf32, #tpu.memory_space<vmem>> -> memref<128x128xf32, #tpu.memory_space<vmem>>
      %dma_wait3A_257 = arith.constant 0 : i32
      %dma_wait3A_258 = tpu.memref_slice %arg6[%add3A_193, %dma_wait3A_257] : memref<16384x128xf32, #tpu.memory_space<hbm>> -> memref<128x128xf32, #tpu.memory_space<hbm>>
      %dma_wait3A_259 = arith.constant 0 : i32
      %dma_wait3A_260 = tpu.memref_slice %arg6[%add3A_193, %dma_wait3A_259] : memref<16384x128xf32, #tpu.memory_space<hbm>> -> memref<128x128xf32, #tpu.memory_space<hbm>>
      %dma_wait3A_261 = arith.constant 0 : i32
      %dma_wait3A_262 = arith.constant 0 : i32
      %dma_wait3A_263 = tpu.memref_slice %arg9[%run_scoped3A_194, %dma_wait3A_261, %dma_wait3A_262] : memref<2x128x128xf32, #tpu.memory_space<vmem>> -> memref<1x128x128xf32, #tpu.memory_space<vmem>>
      %dma_wait3A_264 = tpu.memref_squeeze %dma_wait3A_263 : memref<1x128x128xf32, #tpu.memory_space<vmem>> -> memref<128x128xf32, #tpu.memory_space<vmem>>
      tpu.wait_dma2 semaphore(%run_scoped3A_240 : memref<!tpu.dma_semaphore, #tpu.memory_space<semaphore_mem>>) src(%dma_wait3A_264 : memref<128x128xf32, #tpu.memory_space<vmem>>) dst(%dma_wait3A_260 : memref<128x128xf32, #tpu.memory_space<hbm>>)
      tpu.yield
    }) : () -> ()
    %dma_wait3A_195 = arith.constant 2 : i32
    %dma_wait3A_196 = arith.constant 0 : i32
    %dma_wait3A_197 = arith.constant 0 : i32
    %dma_wait3A_198 = arith.constant 0 : i32
    %dma_wait3A_199 = tpu.memref_slice %arg11[%dma_wait3A_196, %dma_wait3A_197, %dma_wait3A_198] : memref<2x128x128xf32, #tpu.memory_space<vmem>> -> memref<1x128x128xf32, #tpu.memory_space<vmem>>
    %dma_wait3A_200 = tpu.memref_squeeze %dma_wait3A_199 : memref<1x128x128xf32, #tpu.memory_space<vmem>> -> memref<128x128xf32, #tpu.memory_space<vmem>>
    %dma_wait3A_201 = arith.constant 0 : i32
    %dma_wait3A_202 = tpu.memref_slice %arg10[%dma_wait3A_195, %dma_wait3A_201] : memref<4x128xi32, #tpu.memory_space<vmem>> -> memref<1x128xi32, #tpu.memory_space<vmem>>
    %dma_wait3A_203 = tpu.memref_squeeze %dma_wait3A_202 : memref<1x128xi32, #tpu.memory_space<vmem>> -> memref<128xi32, #tpu.memory_space<vmem>>
    %dma_wait3A_204 = arith.constant 0 : i32
    %dma_wait3A_205 = arith.constant 0 : i32
    %dma_wait3A_206 = tpu.memref_slice %arg4[%dma_wait3A_204, %dma_wait3A_205] : memref<1002x128xf32, #tpu.memory_space<hbm>> -> memref<1002x128xf32, #tpu.memory_space<hbm>>
    tpu.wait_indirect_dma semaphore(%arg13 : memref<!tpu.dma_semaphore, #tpu.memory_space<semaphore_mem>>) src(%dma_wait3A_206 : memref<1002x128xf32, #tpu.memory_space<hbm>>) dst(%dma_wait3A_200 : memref<128x128xf32, #tpu.memory_space<vmem>>)
    %add3A_207 = arith.constant 256 : i32
    %add3A_208 = arith.addi %mul3A_2, %add3A_207 : i32
    %run_scoped3A_209 = arith.constant 0 : i32
    "tpu.region"() ({
      %run_scoped3A_240 = tpu.sem_alloc : memref<!tpu.dma_semaphore, #tpu.memory_space<semaphore_mem>>
      %dma_start3A_241 = arith.constant 0 : i32
      %dma_start3A_242 = arith.constant 0 : i32
      %dma_start3A_243 = tpu.memref_slice %arg11[%run_scoped3A_209, %dma_start3A_241, %dma_start3A_242] : memref<2x128x128xf32, #tpu.memory_space<vmem>> -> memref<1x128x128xf32, #tpu.memory_space<vmem>>
      %dma_start3A_244 = tpu.memref_squeeze %dma_start3A_243 : memref<1x128x128xf32, #tpu.memory_space<vmem>> -> memref<128x128xf32, #tpu.memory_space<vmem>>
      %dma_start3A_245 = arith.constant 0 : i32
      %dma_start3A_246 = tpu.memref_slice %arg7[%add3A_208, %dma_start3A_245] : memref<16384x128xf32, #tpu.memory_space<hbm>> -> memref<128x128xf32, #tpu.memory_space<hbm>>
      %dma_start3A_247 = arith.constant 0 : i32
      %dma_start3A_248 = tpu.memref_slice %arg7[%add3A_208, %dma_start3A_247] : memref<16384x128xf32, #tpu.memory_space<hbm>> -> memref<128x128xf32, #tpu.memory_space<hbm>>
      %dma_start3A_249 = arith.constant 0 : i32
      %dma_start3A_250 = arith.constant 0 : i32
      %dma_start3A_251 = tpu.memref_slice %arg11[%run_scoped3A_209, %dma_start3A_249, %dma_start3A_250] : memref<2x128x128xf32, #tpu.memory_space<vmem>> -> memref<1x128x128xf32, #tpu.memory_space<vmem>>
      %dma_start3A_252 = tpu.memref_squeeze %dma_start3A_251 : memref<1x128x128xf32, #tpu.memory_space<vmem>> -> memref<128x128xf32, #tpu.memory_space<vmem>>
      tpu.enqueue_dma source(%dma_start3A_252 : memref<128x128xf32, #tpu.memory_space<vmem>>) target(%dma_start3A_248 : memref<128x128xf32, #tpu.memory_space<hbm>>) target_semaphore(%run_scoped3A_240 : memref<!tpu.dma_semaphore, #tpu.memory_space<semaphore_mem>>)
      %dma_wait3A_253 = arith.constant 0 : i32
      %dma_wait3A_254 = arith.constant 0 : i32
      %dma_wait3A_255 = tpu.memref_slice %arg11[%run_scoped3A_209, %dma_wait3A_253, %dma_wait3A_254] : memref<2x128x128xf32, #tpu.memory_space<vmem>> -> memref<1x128x128xf32, #tpu.memory_space<vmem>>
      %dma_wait3A_256 = tpu.memref_squeeze %dma_wait3A_255 : memref<1x128x128xf32, #tpu.memory_space<vmem>> -> memref<128x128xf32, #tpu.memory_space<vmem>>
      %dma_wait3A_257 = arith.constant 0 : i32
      %dma_wait3A_258 = tpu.memref_slice %arg7[%add3A_208, %dma_wait3A_257] : memref<16384x128xf32, #tpu.memory_space<hbm>> -> memref<128x128xf32, #tpu.memory_space<hbm>>
      %dma_wait3A_259 = arith.constant 0 : i32
      %dma_wait3A_260 = tpu.memref_slice %arg7[%add3A_208, %dma_wait3A_259] : memref<16384x128xf32, #tpu.memory_space<hbm>> -> memref<128x128xf32, #tpu.memory_space<hbm>>
      %dma_wait3A_261 = arith.constant 0 : i32
      %dma_wait3A_262 = arith.constant 0 : i32
      %dma_wait3A_263 = tpu.memref_slice %arg11[%run_scoped3A_209, %dma_wait3A_261, %dma_wait3A_262] : memref<2x128x128xf32, #tpu.memory_space<vmem>> -> memref<1x128x128xf32, #tpu.memory_space<vmem>>
      %dma_wait3A_264 = tpu.memref_squeeze %dma_wait3A_263 : memref<1x128x128xf32, #tpu.memory_space<vmem>> -> memref<128x128xf32, #tpu.memory_space<vmem>>
      tpu.wait_dma2 semaphore(%run_scoped3A_240 : memref<!tpu.dma_semaphore, #tpu.memory_space<semaphore_mem>>) src(%dma_wait3A_264 : memref<128x128xf32, #tpu.memory_space<vmem>>) dst(%dma_wait3A_260 : memref<128x128xf32, #tpu.memory_space<hbm>>)
      tpu.yield
    }) : () -> ()
    %dma_wait3A_210 = arith.constant 3 : i32
    %dma_wait3A_211 = arith.constant 1 : i32
    %dma_wait3A_212 = arith.constant 0 : i32
    %dma_wait3A_213 = arith.constant 0 : i32
    %dma_wait3A_214 = tpu.memref_slice %arg9[%dma_wait3A_211, %dma_wait3A_212, %dma_wait3A_213] : memref<2x128x128xf32, #tpu.memory_space<vmem>> -> memref<1x128x128xf32, #tpu.memory_space<vmem>>
    %dma_wait3A_215 = tpu.memref_squeeze %dma_wait3A_214 : memref<1x128x128xf32, #tpu.memory_space<vmem>> -> memref<128x128xf32, #tpu.memory_space<vmem>>
    %dma_wait3A_216 = arith.constant 0 : i32
    %dma_wait3A_217 = tpu.memref_slice %arg8[%dma_wait3A_210, %dma_wait3A_216] : memref<4x128xi32, #tpu.memory_space<vmem>> -> memref<1x128xi32, #tpu.memory_space<vmem>>
    %dma_wait3A_218 = tpu.memref_squeeze %dma_wait3A_217 : memref<1x128xi32, #tpu.memory_space<vmem>> -> memref<128xi32, #tpu.memory_space<vmem>>
    %dma_wait3A_219 = arith.constant 0 : i32
    %dma_wait3A_220 = arith.constant 0 : i32
    %dma_wait3A_221 = tpu.memref_slice %arg2[%dma_wait3A_219, %dma_wait3A_220] : memref<1000001x128xf32, #tpu.memory_space<hbm>> -> memref<1000001x128xf32, #tpu.memory_space<hbm>>
    tpu.wait_indirect_dma semaphore(%arg12 : memref<!tpu.dma_semaphore, #tpu.memory_space<semaphore_mem>>) src(%dma_wait3A_221 : memref<1000001x128xf32, #tpu.memory_space<hbm>>) dst(%dma_wait3A_215 : memref<128x128xf32, #tpu.memory_space<vmem>>)
    %add3A_222 = arith.constant 384 : i32
    %add3A_223 = arith.addi %mul3A_2, %add3A_222 : i32
    %run_scoped3A_224 = arith.constant 1 : i32
    "tpu.region"() ({
      %run_scoped3A_240 = tpu.sem_alloc : memref<!tpu.dma_semaphore, #tpu.memory_space<semaphore_mem>>
      %dma_start3A_241 = arith.constant 0 : i32
      %dma_start3A_242 = arith.constant 0 : i32
      %dma_start3A_243 = tpu.memref_slice %arg9[%run_scoped3A_224, %dma_start3A_241, %dma_start3A_242] : memref<2x128x128xf32, #tpu.memory_space<vmem>> -> memref<1x128x128xf32, #tpu.memory_space<vmem>>
      %dma_start3A_244 = tpu.memref_squeeze %dma_start3A_243 : memref<1x128x128xf32, #tpu.memory_space<vmem>> -> memref<128x128xf32, #tpu.memory_space<vmem>>
      %dma_start3A_245 = arith.constant 0 : i32
      %dma_start3A_246 = tpu.memref_slice %arg6[%add3A_223, %dma_start3A_245] : memref<16384x128xf32, #tpu.memory_space<hbm>> -> memref<128x128xf32, #tpu.memory_space<hbm>>
      %dma_start3A_247 = arith.constant 0 : i32
      %dma_start3A_248 = tpu.memref_slice %arg6[%add3A_223, %dma_start3A_247] : memref<16384x128xf32, #tpu.memory_space<hbm>> -> memref<128x128xf32, #tpu.memory_space<hbm>>
      %dma_start3A_249 = arith.constant 0 : i32
      %dma_start3A_250 = arith.constant 0 : i32
      %dma_start3A_251 = tpu.memref_slice %arg9[%run_scoped3A_224, %dma_start3A_249, %dma_start3A_250] : memref<2x128x128xf32, #tpu.memory_space<vmem>> -> memref<1x128x128xf32, #tpu.memory_space<vmem>>
      %dma_start3A_252 = tpu.memref_squeeze %dma_start3A_251 : memref<1x128x128xf32, #tpu.memory_space<vmem>> -> memref<128x128xf32, #tpu.memory_space<vmem>>
      tpu.enqueue_dma source(%dma_start3A_252 : memref<128x128xf32, #tpu.memory_space<vmem>>) target(%dma_start3A_248 : memref<128x128xf32, #tpu.memory_space<hbm>>) target_semaphore(%run_scoped3A_240 : memref<!tpu.dma_semaphore, #tpu.memory_space<semaphore_mem>>)
      %dma_wait3A_253 = arith.constant 0 : i32
      %dma_wait3A_254 = arith.constant 0 : i32
      %dma_wait3A_255 = tpu.memref_slice %arg9[%run_scoped3A_224, %dma_wait3A_253, %dma_wait3A_254] : memref<2x128x128xf32, #tpu.memory_space<vmem>> -> memref<1x128x128xf32, #tpu.memory_space<vmem>>
      %dma_wait3A_256 = tpu.memref_squeeze %dma_wait3A_255 : memref<1x128x128xf32, #tpu.memory_space<vmem>> -> memref<128x128xf32, #tpu.memory_space<vmem>>
      %dma_wait3A_257 = arith.constant 0 : i32
      %dma_wait3A_258 = tpu.memref_slice %arg6[%add3A_223, %dma_wait3A_257] : memref<16384x128xf32, #tpu.memory_space<hbm>> -> memref<128x128xf32, #tpu.memory_space<hbm>>
      %dma_wait3A_259 = arith.constant 0 : i32
      %dma_wait3A_260 = tpu.memref_slice %arg6[%add3A_223, %dma_wait3A_259] : memref<16384x128xf32, #tpu.memory_space<hbm>> -> memref<128x128xf32, #tpu.memory_space<hbm>>
      %dma_wait3A_261 = arith.constant 0 : i32
      %dma_wait3A_262 = arith.constant 0 : i32
      %dma_wait3A_263 = tpu.memref_slice %arg9[%run_scoped3A_224, %dma_wait3A_261, %dma_wait3A_262] : memref<2x128x128xf32, #tpu.memory_space<vmem>> -> memref<1x128x128xf32, #tpu.memory_space<vmem>>
      %dma_wait3A_264 = tpu.memref_squeeze %dma_wait3A_263 : memref<1x128x128xf32, #tpu.memory_space<vmem>> -> memref<128x128xf32, #tpu.memory_space<vmem>>
      tpu.wait_dma2 semaphore(%run_scoped3A_240 : memref<!tpu.dma_semaphore, #tpu.memory_space<semaphore_mem>>) src(%dma_wait3A_264 : memref<128x128xf32, #tpu.memory_space<vmem>>) dst(%dma_wait3A_260 : memref<128x128xf32, #tpu.memory_space<hbm>>)
      tpu.yield
    }) : () -> ()
    %dma_wait3A_225 = arith.constant 3 : i32
    %dma_wait3A_226 = arith.constant 1 : i32
    %dma_wait3A_227 = arith.constant 0 : i32
    %dma_wait3A_228 = arith.constant 0 : i32
    %dma_wait3A_229 = tpu.memref_slice %arg11[%dma_wait3A_226, %dma_wait3A_227, %dma_wait3A_228] : memref<2x128x128xf32, #tpu.memory_space<vmem>> -> memref<1x128x128xf32, #tpu.memory_space<vmem>>
    %dma_wait3A_230 = tpu.memref_squeeze %dma_wait3A_229 : memref<1x128x128xf32, #tpu.memory_space<vmem>> -> memref<128x128xf32, #tpu.memory_space<vmem>>
    %dma_wait3A_231 = arith.constant 0 : i32
    %dma_wait3A_232 = tpu.memref_slice %arg10[%dma_wait3A_225, %dma_wait3A_231] : memref<4x128xi32, #tpu.memory_space<vmem>> -> memref<1x128xi32, #tpu.memory_space<vmem>>
    %dma_wait3A_233 = tpu.memref_squeeze %dma_wait3A_232 : memref<1x128xi32, #tpu.memory_space<vmem>> -> memref<128xi32, #tpu.memory_space<vmem>>
    %dma_wait3A_234 = arith.constant 0 : i32
    %dma_wait3A_235 = arith.constant 0 : i32
    %dma_wait3A_236 = tpu.memref_slice %arg4[%dma_wait3A_234, %dma_wait3A_235] : memref<1002x128xf32, #tpu.memory_space<hbm>> -> memref<1002x128xf32, #tpu.memory_space<hbm>>
    tpu.wait_indirect_dma semaphore(%arg13 : memref<!tpu.dma_semaphore, #tpu.memory_space<semaphore_mem>>) src(%dma_wait3A_236 : memref<1002x128xf32, #tpu.memory_space<hbm>>) dst(%dma_wait3A_230 : memref<128x128xf32, #tpu.memory_space<vmem>>)
    %add3A_237 = arith.constant 384 : i32
    %add3A_238 = arith.addi %mul3A_2, %add3A_237 : i32
    %run_scoped3A_239 = arith.constant 1 : i32
    "tpu.region"() ({
      %run_scoped3A_240 = tpu.sem_alloc : memref<!tpu.dma_semaphore, #tpu.memory_space<semaphore_mem>>
      %dma_start3A_241 = arith.constant 0 : i32
      %dma_start3A_242 = arith.constant 0 : i32
      %dma_start3A_243 = tpu.memref_slice %arg11[%run_scoped3A_239, %dma_start3A_241, %dma_start3A_242] : memref<2x128x128xf32, #tpu.memory_space<vmem>> -> memref<1x128x128xf32, #tpu.memory_space<vmem>>
      %dma_start3A_244 = tpu.memref_squeeze %dma_start3A_243 : memref<1x128x128xf32, #tpu.memory_space<vmem>> -> memref<128x128xf32, #tpu.memory_space<vmem>>
      %dma_start3A_245 = arith.constant 0 : i32
      %dma_start3A_246 = tpu.memref_slice %arg7[%add3A_238, %dma_start3A_245] : memref<16384x128xf32, #tpu.memory_space<hbm>> -> memref<128x128xf32, #tpu.memory_space<hbm>>
      %dma_start3A_247 = arith.constant 0 : i32
      %dma_start3A_248 = tpu.memref_slice %arg7[%add3A_238, %dma_start3A_247] : memref<16384x128xf32, #tpu.memory_space<hbm>> -> memref<128x128xf32, #tpu.memory_space<hbm>>
      %dma_start3A_249 = arith.constant 0 : i32
      %dma_start3A_250 = arith.constant 0 : i32
      %dma_start3A_251 = tpu.memref_slice %arg11[%run_scoped3A_239, %dma_start3A_249, %dma_start3A_250] : memref<2x128x128xf32, #tpu.memory_space<vmem>> -> memref<1x128x128xf32, #tpu.memory_space<vmem>>
      %dma_start3A_252 = tpu.memref_squeeze %dma_start3A_251 : memref<1x128x128xf32, #tpu.memory_space<vmem>> -> memref<128x128xf32, #tpu.memory_space<vmem>>
      tpu.enqueue_dma source(%dma_start3A_252 : memref<128x128xf32, #tpu.memory_space<vmem>>) target(%dma_start3A_248 : memref<128x128xf32, #tpu.memory_space<hbm>>) target_semaphore(%run_scoped3A_240 : memref<!tpu.dma_semaphore, #tpu.memory_space<semaphore_mem>>)
      %dma_wait3A_253 = arith.constant 0 : i32
      %dma_wait3A_254 = arith.constant 0 : i32
      %dma_wait3A_255 = tpu.memref_slice %arg11[%run_scoped3A_239, %dma_wait3A_253, %dma_wait3A_254] : memref<2x128x128xf32, #tpu.memory_space<vmem>> -> memref<1x128x128xf32, #tpu.memory_space<vmem>>
      %dma_wait3A_256 = tpu.memref_squeeze %dma_wait3A_255 : memref<1x128x128xf32, #tpu.memory_space<vmem>> -> memref<128x128xf32, #tpu.memory_space<vmem>>
      %dma_wait3A_257 = arith.constant 0 : i32
      %dma_wait3A_258 = tpu.memref_slice %arg7[%add3A_238, %dma_wait3A_257] : memref<16384x128xf32, #tpu.memory_space<hbm>> -> memref<128x128xf32, #tpu.memory_space<hbm>>
      %dma_wait3A_259 = arith.constant 0 : i32
      %dma_wait3A_260 = tpu.memref_slice %arg7[%add3A_238, %dma_wait3A_259] : memref<16384x128xf32, #tpu.memory_space<hbm>> -> memref<128x128xf32, #tpu.memory_space<hbm>>
      %dma_wait3A_261 = arith.constant 0 : i32
      %dma_wait3A_262 = arith.constant 0 : i32
      %dma_wait3A_263 = tpu.memref_slice %arg11[%run_scoped3A_239, %dma_wait3A_261, %dma_wait3A_262] : memref<2x128x128xf32, #tpu.memory_space<vmem>> -> memref<1x128x128xf32, #tpu.memory_space<vmem>>
      %dma_wait3A_264 = tpu.memref_squeeze %dma_wait3A_263 : memref<1x128x128xf32, #tpu.memory_space<vmem>> -> memref<128x128xf32, #tpu.memory_space<vmem>>
      tpu.wait_dma2 semaphore(%run_scoped3A_240 : memref<!tpu.dma_semaphore, #tpu.memory_space<semaphore_mem>>) src(%dma_wait3A_264 : memref<128x128xf32, #tpu.memory_space<vmem>>) dst(%dma_wait3A_260 : memref<128x128xf32, #tpu.memory_space<hbm>>)
      tpu.yield
    }) : () -> ()
    return
  }
}

module attributes {stable_mosaic.version = 14 : i64} {
  func.func @_mlp_body(%arg0: i32, %arg1: memref<2048x300xf32, #tpu.memory_space<vmem>>, %arg2: memref<2048x128xf32, #tpu.memory_space<vmem>>, %arg3: memref<2048x128xf32, #tpu.memory_space<vmem>>, %arg4: memref<300x80xf32, #tpu.memory_space<vmem>>, %arg5: memref<1x80xf32, #tpu.memory_space<vmem>>, %arg6: memref<50x80xf32, #tpu.memory_space<vmem>>, %arg7: memref<80x80xf32, #tpu.memory_space<vmem>>, %arg8: memref<30x80xf32, #tpu.memory_space<vmem>>, %arg9: memref<1x80xf32, #tpu.memory_space<vmem>>, %arg10: memref<80x18xf32, #tpu.memory_space<vmem>>, %arg11: memref<1x18xf32, #tpu.memory_space<vmem>>, %arg12: memref<2048x18xf32, #tpu.memory_space<vmem>>) attributes {dimension_semantics = [#tpu.dimension_semantics<arbitrary>], iteration_bounds = array<i64: 8>, scalar_prefetch = 0 : i64, scratch_operands = 0 : i64, tpu.core_type = #tpu.core_type<tc>, window_params = [{transform_indices = @transform_0, window_bounds = array<i64: 2048, 300>}, {transform_indices = @transform_1, window_bounds = array<i64: 2048, 128>}, {transform_indices = @transform_2, window_bounds = array<i64: 2048, 128>}, {pipeline_mode = #tpu.pipeline_mode<synchronous>, transform_indices = @transform_3, window_bounds = array<i64: 300, 80>}, {pipeline_mode = #tpu.pipeline_mode<synchronous>, transform_indices = @transform_4, window_bounds = array<i64: 1, 80>}, {pipeline_mode = #tpu.pipeline_mode<synchronous>, transform_indices = @transform_5, window_bounds = array<i64: 50, 80>}, {pipeline_mode = #tpu.pipeline_mode<synchronous>, transform_indices = @transform_6, window_bounds = array<i64: 80, 80>}, {pipeline_mode = #tpu.pipeline_mode<synchronous>, transform_indices = @transform_7, window_bounds = array<i64: 30, 80>}, {pipeline_mode = #tpu.pipeline_mode<synchronous>, transform_indices = @transform_8, window_bounds = array<i64: 1, 80>}, {pipeline_mode = #tpu.pipeline_mode<synchronous>, transform_indices = @transform_9, window_bounds = array<i64: 80, 18>}, {pipeline_mode = #tpu.pipeline_mode<synchronous>, transform_indices = @transform_10, window_bounds = array<i64: 1, 18>}, {transform_indices = @transform_11, window_bounds = array<i64: 2048, 18>}]} {
    %get3A = arith.constant 0 : index
    %get3A_0 = arith.constant 0 : index
    %get3A_1 = vector.load %arg1[%get3A, %get3A_0] : memref<2048x300xf32, #tpu.memory_space<vmem>>, vector<2048x300xf32>
    %get3A_2 = arith.constant 0 : index
    %get3A_3 = arith.constant 0 : index
    %get3A_4 = vector.load %arg4[%get3A_2, %get3A_3] : memref<300x80xf32, #tpu.memory_space<vmem>>, vector<300x80xf32>
    %dot_general3A = arith.constant dense<0.000000e+00> : vector<2048x80xf32>
    %dot_general3A_5 = tpu.matmul %get3A_1, %get3A_4, %dot_general3A {dimension_numbers = #tpu.dot_dimension_numbers<[1], [0], [0], [1], [0, 0, 1, 1], [], []>, transpose_lhs_hint = false} : vector<2048x300xf32>, vector<300x80xf32>, vector<2048x80xf32> -> vector<2048x80xf32>
    %get3A_6 = arith.constant 0 : index
    %get3A_7 = arith.constant 0 : index
    %get3A_8 = vector.load %arg5[%get3A_6, %get3A_7] : memref<1x80xf32, #tpu.memory_space<vmem>>, vector<1x80xf32>
    %add3A = vector.broadcast %get3A_8 : vector<1x80xf32> to vector<2048x80xf32>
    %add3A_9 = arith.addf %dot_general3A_5, %add3A : vector<2048x80xf32>
    %get3A_10 = arith.constant 0 : index
    %get3A_11 = arith.constant 0 : index
    %get3A_12 = vector.load %arg7[%get3A_10, %get3A_11] : memref<80x80xf32, #tpu.memory_space<vmem>>, vector<80x80xf32>
    %dot_general3A_13 = arith.constant dense<0.000000e+00> : vector<2048x80xf32>
    %dot_general3A_14 = tpu.matmul %add3A_9, %get3A_12, %dot_general3A_13 {dimension_numbers = #tpu.dot_dimension_numbers<[1], [0], [0], [1], [0, 0, 1, 1], [], []>, transpose_lhs_hint = false} : vector<2048x80xf32>, vector<80x80xf32>, vector<2048x80xf32> -> vector<2048x80xf32>
    %get3A_15 = arith.constant 0 : index
    %get3A_16 = arith.constant 0 : index
    %get3A_17 = vector.load %arg2[%get3A_15, %get3A_16] : memref<2048x128xf32, #tpu.memory_space<vmem>>, vector<2048x50xf32>
    %get3A_18 = arith.constant 0 : index
    %get3A_19 = arith.constant 0 : index
    %get3A_20 = vector.load %arg6[%get3A_18, %get3A_19] : memref<50x80xf32, #tpu.memory_space<vmem>>, vector<50x80xf32>
    %dot_general3A_21 = arith.constant dense<0.000000e+00> : vector<2048x80xf32>
    %dot_general3A_22 = tpu.matmul %get3A_17, %get3A_20, %dot_general3A_21 {dimension_numbers = #tpu.dot_dimension_numbers<[1], [0], [0], [1], [0, 0, 1, 1], [], []>, transpose_lhs_hint = false} : vector<2048x50xf32>, vector<50x80xf32>, vector<2048x80xf32> -> vector<2048x80xf32>
    %add3A_23 = arith.addf %dot_general3A_14, %dot_general3A_22 : vector<2048x80xf32>
    %get3A_24 = arith.constant 0 : index
    %get3A_25 = arith.constant 0 : index
    %get3A_26 = vector.load %arg3[%get3A_24, %get3A_25] : memref<2048x128xf32, #tpu.memory_space<vmem>>, vector<2048x30xf32>
    %get3A_27 = arith.constant 0 : index
    %get3A_28 = arith.constant 0 : index
    %get3A_29 = vector.load %arg8[%get3A_27, %get3A_28] : memref<30x80xf32, #tpu.memory_space<vmem>>, vector<30x80xf32>
    %dot_general3A_30 = arith.constant dense<0.000000e+00> : vector<2048x80xf32>
    %dot_general3A_31 = tpu.matmul %get3A_26, %get3A_29, %dot_general3A_30 {dimension_numbers = #tpu.dot_dimension_numbers<[1], [0], [0], [1], [0, 0, 1, 1], [], []>, transpose_lhs_hint = false} : vector<2048x30xf32>, vector<30x80xf32>, vector<2048x80xf32> -> vector<2048x80xf32>
    %add3A_32 = arith.addf %add3A_23, %dot_general3A_31 : vector<2048x80xf32>
    %get3A_33 = arith.constant 0 : index
    %get3A_34 = arith.constant 0 : index
    %get3A_35 = vector.load %arg9[%get3A_33, %get3A_34] : memref<1x80xf32, #tpu.memory_space<vmem>>, vector<1x80xf32>
    %add3A_36 = vector.broadcast %get3A_35 : vector<1x80xf32> to vector<2048x80xf32>
    %add3A_37 = arith.addf %add3A_32, %add3A_36 : vector<2048x80xf32>
    %max3A = arith.constant 0.000000e+00 : f32
    %max3A_38 = vector.broadcast %max3A : f32 to vector<2048x80xf32>
    %max3A_39 = arith.maximumf %add3A_37, %max3A_38 : vector<2048x80xf32>
    %get3A_40 = arith.constant 0 : index
    %get3A_41 = arith.constant 0 : index
    %get3A_42 = vector.load %arg10[%get3A_40, %get3A_41] : memref<80x18xf32, #tpu.memory_space<vmem>>, vector<80x18xf32>
    %dot_general3A_43 = arith.constant dense<0.000000e+00> : vector<2048x18xf32>
    %dot_general3A_44 = tpu.matmul %max3A_39, %get3A_42, %dot_general3A_43 {dimension_numbers = #tpu.dot_dimension_numbers<[1], [0], [0], [1], [0, 0, 1, 1], [], []>, transpose_lhs_hint = false} : vector<2048x80xf32>, vector<80x18xf32>, vector<2048x18xf32> -> vector<2048x18xf32>
    %get3A_45 = arith.constant 0 : index
    %get3A_46 = arith.constant 0 : index
    %get3A_47 = vector.load %arg11[%get3A_45, %get3A_46] : memref<1x18xf32, #tpu.memory_space<vmem>>, vector<1x18xf32>
    %add3A_48 = vector.broadcast %get3A_47 : vector<1x18xf32> to vector<2048x18xf32>
    %add3A_49 = arith.addf %dot_general3A_44, %add3A_48 : vector<2048x18xf32>
    %swap3A = arith.constant 0 : index
    %swap3A_50 = arith.constant 0 : index
    %swap3A_51 = vector.load %arg12[%swap3A, %swap3A_50] : memref<2048x18xf32, #tpu.memory_space<vmem>>, vector<2048x18xf32>
    tpu.vector_store %arg12[%swap3A, %swap3A_50], %add3A_49 {strides = array<i32>} : memref<2048x18xf32, #tpu.memory_space<vmem>>, vector<2048x18xf32>,
    return
  }
  func.func @transform_0(%arg0: i32) -> (i32, i32) {
    %c0_i32 = arith.constant 0 : i32
    %c0_i32_0 = arith.constant 0 : i32
    return %arg0, %c0_i32 : i32, i32
  }
  func.func @transform_1(%arg0: i32) -> (i32, i32) {
    %c0_i32 = arith.constant 0 : i32
    %c0_i32_0 = arith.constant 0 : i32
    return %arg0, %c0_i32 : i32, i32
  }
  func.func @transform_2(%arg0: i32) -> (i32, i32) {
    %c0_i32 = arith.constant 0 : i32
    %c0_i32_0 = arith.constant 0 : i32
    return %arg0, %c0_i32 : i32, i32
  }
  func.func @transform_3(%arg0: i32) -> (i32, i32) {
    %c0_i32 = arith.constant 0 : i32
    %c0_i32_0 = arith.constant 0 : i32
    %c0_i32_1 = arith.constant 0 : i32
    return %c0_i32, %c0_i32_0 : i32, i32
  }
  func.func @transform_4(%arg0: i32) -> (i32, i32) {
    %c0_i32 = arith.constant 0 : i32
    %c0_i32_0 = arith.constant 0 : i32
    %c0_i32_1 = arith.constant 0 : i32
    return %c0_i32, %c0_i32_0 : i32, i32
  }
  func.func @transform_5(%arg0: i32) -> (i32, i32) {
    %c0_i32 = arith.constant 0 : i32
    %c0_i32_0 = arith.constant 0 : i32
    %c0_i32_1 = arith.constant 0 : i32
    return %c0_i32, %c0_i32_0 : i32, i32
  }
  func.func @transform_6(%arg0: i32) -> (i32, i32) {
    %c0_i32 = arith.constant 0 : i32
    %c0_i32_0 = arith.constant 0 : i32
    %c0_i32_1 = arith.constant 0 : i32
    return %c0_i32, %c0_i32_0 : i32, i32
  }
  func.func @transform_7(%arg0: i32) -> (i32, i32) {
    %c0_i32 = arith.constant 0 : i32
    %c0_i32_0 = arith.constant 0 : i32
    %c0_i32_1 = arith.constant 0 : i32
    return %c0_i32, %c0_i32_0 : i32, i32
  }
  func.func @transform_8(%arg0: i32) -> (i32, i32) {
    %c0_i32 = arith.constant 0 : i32
    %c0_i32_0 = arith.constant 0 : i32
    %c0_i32_1 = arith.constant 0 : i32
    return %c0_i32, %c0_i32_0 : i32, i32
  }
  func.func @transform_9(%arg0: i32) -> (i32, i32) {
    %c0_i32 = arith.constant 0 : i32
    %c0_i32_0 = arith.constant 0 : i32
    %c0_i32_1 = arith.constant 0 : i32
    return %c0_i32, %c0_i32_0 : i32, i32
  }
  func.func @transform_10(%arg0: i32) -> (i32, i32) {
    %c0_i32 = arith.constant 0 : i32
    %c0_i32_0 = arith.constant 0 : i32
    %c0_i32_1 = arith.constant 0 : i32
    return %c0_i32, %c0_i32_0 : i32, i32
  }
  func.func @transform_11(%arg0: i32) -> (i32, i32) {
    %c0_i32 = arith.constant 0 : i32
    %c0_i32_0 = arith.constant 0 : i32
    return %arg0, %c0_i32 : i32, i32
  }
}

</mosaic_0001>

<sc_bundles>
// kernel: kernel.4.cloned.1.call-start
scs
__scs_entry_jumppad:
0x0: {  	(pc) =	sbr.rel $0x88, $3  }
0x1: {  	(tag) =	ssettag $0x0;
	lr =	simm.s32 $0x1  }
0x2: {  	[smem:$0x3F96] =	sst lr;
	_ =	strace $0xD0000000  }
0x3: {  	_ = 	snop  }
0x4: {  	_ = 	snop  }
0x5: {  	_ = 	snop  }
0x6: {  	_ = 	snop  }
0x7: {  	_ = 	snop  }
__scs_overlays_trampoline_lowered:
0x8: {  	[smem:$0x3FA5] =	sst s0  }
0x9: {  	[smem:$0x3FA6] =	sst s1  }
0xa: {  	[smem:$0x3FA7] =	sst s2  }
0xb: {  	[smem:$0x3FA8] =	sst s3  }
0xc: {  	[smem:$0x3FA9] =	sst s4  }
0xd: {  	[smem:$0x3FAA] =	sst s5  }
0xe: {  	[smem:$0x3FAB] =	sst s6  }
0xf: {  	[smem:$0x3FAC] =	sst s7  }
0x10: {  	[smem:$0x3FAD] =	sst s8  }
0x11: {  	[smem:$0x3FAE] =	sst s9;
	s0 =	simm.s32 @!p0 $0x0  }
0x12: {  	s1 =	sld [smem:$0x3F94];
	s0 =	simm.s32 @p0 $0x1  }
0x13: {  	[smem:$0x3FAF] =	sst s0;
	s0 =	simm.s32 @!p1 $0x0  }
0x14: {  	s2 =	sld [smem:$0x3F93];
	s0 =	simm.s32 @p1 $0x1  }
0x15: {  	[smem:$0x3FB0] =	sst s0;
	s0 =	simm.s32 @!p2 $0x0  }
0x16: {  	s3 =	sld [smem:$0x3FDB];
	s0 =	simm.s32 @p2 $0x1  }
0x17: {  	s4 =	simm.s32 $0x1BF5;
	[smem:$0x3FB2] =	sst s0  }
0x18: {  	s0 =	sld [smem:$0x3F95];
	_ =	swait.ge [sflag:s4], $0x0  }
0x19: {  	s7 =	sld [smem:$0x3F96]  }
0x1a: {  	s8 =	sadd.s32 $0xFFFFE003, lr  }
0x1b: {  	s9 =	sadd.s32 $0xFFFFFEF7, lr;
	s5 =	simm.s32 $0xFFFFFFFF;
	p2 =	slt.u32 s8, $0xFFFFF086  }
0x1c: {  	p1 =	slt.u32 s9, $0xF7A;
	s5 =	simm.s32 @!p2 $0x0  }
0x1d: {  	s5 =	simm.s32 @p1 $0x1;
	p0 =	seq.s32 s7, s2  }
0x1e: {  	s7 =	smul.u32 @!p0 $0xF7A, s2;
	p2 =	seq.s32 @!p0 s5, $0x0  }
0x1f: {  	s9 =	smul.u32 $0xF7A, s1;
	s8 =	simm.s32 @!p0 $0x1BF5;
	p2 =	por !p2, p0  }
0x20: {  	[sflag:s8] =	ssyncset.s32 @!p0 $0xFFFFF086;
	s6 =	sadd.s32 @!p0 s3, s7;
	s7 =	simm.s32 @!p0 $0x108  }
0x21: {  	s3 =	sadd.s32 s3, s9;
	s6 =	sadd.s32 @!p0 $0x88, s6;
	s7 =	simm.s32 @p2 $0x1082  }
0x22: {  	[simem:s7], [sflag:s8] =	dma.local @!p0 [hbm:s6], $0xF7A  }
0x23: {  	s9 =	sor.u32 $0xD0000000, s2;
	s6 =	simm.s32 $0x108;
	_ =	swait.ge @!p0 [sflag:s8], $0x0  }
0x24: {  	s3 =	sadd.s32 $0x88, s3;
	s6 =	simm.s32 @!p1 $0x1082;
	[sflag:s4] =	ssyncset.s32 $0xFFFFF086  }
0x25: {  	[simem:s6], [sflag:s4] =	dma.local [hbm:s3], $0xF7A  }
0x26: {  	[smem:$0x3F96] =	sst s1;
	(tag) =	ssettag s2;
	_ =	strace s9  }
0x27: {  	s1 =	sld [smem:$0x3FA6]  }
0x28: {  	s2 =	sld [smem:$0x3FA7]  }
0x29: {  	s4 =	sld [smem:$0x3FA9]  }
0x2a: {  	p0 =	seq.s32 s5, $0x0;
	s5 =	sld [smem:$0x3FAA]  }
0x2b: {  	s6 =	sld [smem:$0x3FAB]  }
0x2c: {  	s7 =	sld [smem:$0x3FAC]  }
0x2d: {  	s3 =	simm.s32 $0x108;
	s8 =	sld [smem:$0x3FAD]  }
0x2e: {  	s3 =	simm.s32 @!p0 $0x1082;
	s9 =	sld [smem:$0x3FAE]  }
0x2f: {  	lr =	sadd.s32 s0, s3;
	s0 =	sld [smem:$0x3FA5]  }
0x30: {  	s3 =	sld [smem:$0x3FA8]  }
0x31: {  	[smem:$0x3FB1] =	sst s10  }
0x32: {  	s10 =	sld [smem:$0x3FAF];
	_ =	sdelay $0x3  }
0x33: {  	p0 =	seq.s32 s10, $0x1;
	s10 =	sld [smem:$0x3FB1];
	_ =	sdelay $0x3  }
0x34: {  	[smem:$0x3FB1] =	sst s10  }
0x35: {  	s10 =	sld [smem:$0x3FB0];
	_ =	sdelay $0x3  }
0x36: {  	p1 =	seq.s32 s10, $0x1;
	s10 =	sld [smem:$0x3FB1];
	_ =	sdelay $0x3  }
0x37: {  	[smem:$0x3FB1] =	sst s10  }
0x38: {  	s10 =	sld [smem:$0x3FB2]  }
0x39: {  	_ = 	snop;
	(pc) =	sbr.ind lr, $3  }
0x3a: {  	_ = 	snop  }
0x3b: {  	_ = 	snop  }
0x3c: {  	p2 =	seq.s32 s10, $0x1;
	s10 =	sld [smem:$0x3FB1]  }
0x3d: {  	_ =	shalt  }
0x3e: {  	_ =	shalt  }
0x3f: {  	_ =	shalt  }
0x40: {  	_ =	shalt  }
0x41: {  	_ =	shalt  }
0x42: {  	_ =	shalt  }
0x43: {  	_ =	shalt  }
0x44: {  	_ =	shalt  }
0x45: {  	_ =	shalt  }
0x46: {  	_ =	shalt  }
0x47: {  	_ =	shalt  }
0x48: {  	_ =	shalt  }
0x49: {  	_ =	shalt  }
0x4a: {  	_ =	shalt  }
0x4b: {  	_ =	shalt  }
0x4c: {  	_ =	shalt  }
0x4d: {  	_ =	shalt  }
0x4e: {  	_ =	shalt  }
0x4f: {  	_ =	shalt  }
0x50: {  	_ =	shalt  }
0x51: {  	_ =	shalt  }
0x52: {  	_ =	shalt  }
0x53: {  	_ =	shalt  }
0x54: {  	_ =	shalt  }
0x55: {  	_ =	shalt  }
0x56: {  	_ =	shalt  }
0x57: {  	_ =	shalt  }
0x58: {  	_ =	shalt  }
0x59: {  	_ =	shalt  }
0x5a: {  	_ =	shalt  }
0x5b: {  	_ =	shalt  }
0x5c: {  	_ =	shalt  }
0x5d: {  	_ =	shalt  }
0x5e: {  	_ =	shalt  }
0x5f: {  	_ =	shalt  }
0x60: {  	_ =	shalt  }
0x61: {  	_ =	shalt  }
0x62: {  	_ =	shalt  }
0x63: {  	_ =	shalt  }
0x64: {  	_ =	shalt  }
0x65: {  	_ =	shalt  }
0x66: {  	_ =	shalt  }
0x67: {  	_ =	shalt  }
0x68: {  	_ =	shalt  }
0x69: {  	_ =	shalt  }
0x6a: {  	_ =	shalt  }
0x6b: {  	_ =	shalt  }
0x6c: {  	_ =	shalt  }
0x6d: {  	_ =	shalt  }
0x6e: {  	_ =	shalt  }
0x6f: {  	_ =	shalt  }
0x70: {  	_ =	shalt  }
0x71: {  	_ =	shalt  }
0x72: {  	_ =	shalt  }
0x73: {  	_ =	shalt  }
0x74: {  	_ =	shalt  }
0x75: {  	_ =	shalt  }
0x76: {  	_ =	shalt  }
0x77: {  	_ =	shalt  }
0x78: {  	_ =	shalt  }
0x79: {  	_ =	shalt  }
0x7a: {  	_ =	shalt  }
0x7b: {  	_ =	shalt  }
0x7c: {  	_ =	shalt  }
0x7d: {  	_ =	shalt  }
0x7e: {  	_ =	shalt  }
0x7f: {  	_ =	shalt  }
0x80: {  	_ =	shalt  }
0x81: {  	_ =	shalt  }
0x82: {  	_ =	shalt  }
0x83: {  	_ =	shalt  }
0x84: {  	_ =	shalt  }
0x85: {  	_ =	shalt  }
0x86: {  	_ =	shalt  }
0x87: {  	_ =	shalt  }
.Lfunc_end0:
.L_simem_size_0:
called_computation_lowered:
.L_overlay_start_0:
0x88: {  	s2 =	sld [smem:$0x3FD9]  }
0x89: {  	s3 =	sld [smem:$0x3FFE];
	_ =	sdelay $0x1  }
0x8a: {  	s1 =	srdreg.scid  }
0x8b: {  	s0 =	sand.u32 $0x1, s1  }
0x8c: {  	s17 =	sshll.u32 s0, $0xA;
	s2 =	sadd.s32 s3, s2  }
0x8d: {  	s2 =	sadd.s32 s2, s17  }
0x8e: {  	[smem:$0x3FBD] =	sst s2  }
0x8f: {  	_ = 	snop  }
0x90: {  	s2 =	sld [smem:$0x3FC9]  }
0x91: {  	s18 =	sld [smem:$0x3FC8]  }
0x92: {  	s4 =	sld [smem:$0x3FD0];
	(tm) =	ssettm $0x1  }
0x93: {  	s5 =	sld [smem:$0x3FFB];
	_ =	sdelay $0x3  }
0x94: {  	_ =	strace s5  }
0x95: {  	s5 =	sld [smem:$0x3FFC];
	_ =	sdelay $0x3  }
0x96: {  	_ =	strace s5  }
0x97: {  	s5 =	sld [smem:$0x3FFD];
	_ =	sdelay $0x3  }
0x98: {  	_ =	strace s5  }
0x99: {  	_ =	strace $0x8FFFFFFF  }
0x9a: {  	s19 =	sld [smem:$0x3FDB];
	_ =	sdelay $0x1  }
0x9b: {  	s6 =	simm.s32 $_scs_section_size  }
0x9c: {  	s7 =	simm.s32 $_size__tile_overlayer_lowered;
	s8 =	simm.s32 $_tile_overlayer_lowered  }
0x9d: {  	s22 =	simm.s32 $0x1BFF;
	s21 =	sshll.u32 s8, $0x1;
	s5 =	sadd.s32 s6, s19  }
0x9e: {  	s9 =	simm.s32 $0x0;
	s20 =	sshll.u32 s7, $0x1;
	s7 =	sadd.s32 s21, s5  }
0x9f: {  	[timem:s9], [sflag:s22] =	dma.local [hbm:s7], s20  }
0xa0: {  	_ =	swait.ge [sflag:s22], s20  }
0xa1: {  	s6 =	ssub.s32 $0x0, s20;
	[sflag:s22] =	ssyncset.done $0x0  }
0xa2: {  	[sflag:s22] =	ssyncadd.s32 s6;
	_ =	sdelay $0x1  }
0xa3: {  	s23 =	simm.s32 $0x1B8B  }
0xa4: {  	_ =	swait.ge [sflag:s23], $0x1  }
0xa5: {  	[sflag:s23] =	ssyncset.done $0x0  }
0xa6: {  	s25 =	simm.s32 $0x1B8E;
	s24 =	sld [smem:$0x3FFE];
	[sflag:s23] =	ssyncadd.s32 $0xFFFFFFFF  }
0xa7: {  	s26 =	simm.s32 $execute0_lowered;
	[smem:$0x3FD2] =	sst s25  }
0xa8: {  	s7 =	sshll.u32 s26, $0x1;
	_ =	strace $0x80000046;
	[dreg:$0x1] =	wrdreg $0xFFFFFFFF  }
0xa9: {  	s28 =	simm.s32 $_size_execute0_lowered;
	s5 =	sadd.s32 s5, s7;
	[dreg:$0x0] =	wrdreg $0x0  }
0xaa: {  	s7 =	sshll.u32 s28, $0x1;
	[dreg:$0x2] =	wrdreg s5  }
0xab: {  	[dreg:$0x3] =	wrdreg s7  }
0xac: {  	[dreg:$0x4] =	wrdreg $0xC0  }
0xad: {  	_ =	task [dreg:s9], $0x5FFFF  }
0xae: {  	[dreg:$0x1] =	wrdreg $0xFFFFFFFF  }
0xaf: {  	[dreg:$0x0] =	wrdreg $0x60  }
0xb0: {  	[dreg:$0x2] =	wrdreg s24  }
0xb1: {  	[dreg:$0x3] =	wrdreg s2  }
0xb2: {  	[dreg:$0x4] =	wrdreg s4  }
0xb3: {  	[dreg:$0x5] =	wrdreg s18  }
0xb4: {  	[dreg:$0x6] =	wrdreg $0x9  }
0xb5: {  	_ =	task.clear_ibuf [dreg:s9], $0x7FFFF;
	_ =	strace $0x90000046  }
0xb6: {  	s29 =	simm.s32 $0x9;
	_ =	strace $0x80000048  }
0xb7: {  	_ =	swait.ge [sflag:s29], $0x1  }
0xb8: {  	[sflag:s29] =	ssyncadd.s32 $0xFFFFFFFF  }
0xb9: {  	_ =	strace $0x90000048  }
0xba: {  	_ =	sfence  }
0xbb: {  	s30 =	sld [smem:$0x0];
	_ =	sdelay $0x2  }
0xbc: {  	s31 =	sshll.u32 s1, $0xD;
	s1 =	sshrl.u32 s1, $0x2  }
0xbd: {  	s3 =	sand.u32 $0x4000, s31;
	s1 =	sadd.s32 s1, s30  }
0xbe: {  	s0 =	sor.u32 s3, s0;
	s1 =	sshll.u32 s1, $0x11  }
0xbf: {  	s0 =	sor.u32 s1, s0  }
0xc0: {  	s0 =	sadd.s32 $0x8F2B, s0  }
0xc1: {  	[sflag:s0] =	ssyncadd.remote.s32 $0x1  }
0xc2: {  	_ =	sfence.sel $0xFFFF  }
0xc3: {  	[dreg:$0x0] =	wrdreg $0xFFFFFFFF;
	(pc) =	sbr.abs _section_cstart, $3  }
0xc4: {  	[dreg:$0x1] =	wrdreg $0xFFFFFFFF  }
0xc5: {  	_ =	task.clear_ibuf [dreg:s9], $0x2FFFF;
	_ =	strace $0x9FFFFFFF  }
0xc6: {  	(tm) =	ssettm $0x7FFFFFFF  }
0xc7: {  	_ =	shalt  }
tec
execute0_lowered:
.L_overlay_start_1:
0x0: {  	(tag) =	ssettag $0x1  }
0x1: {  	s1 =	srdreg.scid  }
0x2: {  	s24 =	rddreg [dreg:$0x0];
	s0 =	stileid.u32;
	s1 =	sand.u32 $0x1, s1  }
0x3: {  	s12 =	rddreg [dreg:$0x1];
	s4 =	sshll.u32 s0, $0xA;
	s5 =	sshll.u32 s1, $0x9  }
0x4: {  	s2 =	rddreg [dreg:$0x2];
	s3 =	simm.s32 $0x0;
	s22 =	sor.u32 s5, s4  }
0x5: {  	[smem:$0x7FF] =	sst s3;
	s4 =	sshrl.u32 s22, $0x3  }
0x6: {  	s14 =	rddreg [dreg:$0x3];
	_ =	strace $0x80000047;
	s21 =	sadd.s32 s12, s4  }
0x7: {  	s25 =	sor.u32 $0x80, s22;
	s4 =	sadd.s32 s14, s4;
	[dreg:$0x5] =	wrdreg s21  }
0x8: {  	s23 =	sshrl.u32 s25, $0x3;
	[dreg:$0x6] =	wrdreg s4  }
0x9: {  	s26 =	sadd.s32 s12, s23;
	s6 =	rddreg [dreg:$0x5]  }
0xa: {  	s4 =	sadd.s32 s14, s23;
	[dreg:$0x7] =	wrdreg s26  }
0xb: {  	[dreg:$0x8] =	wrdreg s4;
	s4 =	simm.s32 $0x3  }
0xc: {  	[tilespmem:s3], [sflag:$0x3] =	stream.linear.gather [hbm4b:s6+s3], $0x80, $0x38;
	[tilespmem:$0x10400] =	vst v63  }
0xd: {  	_ =	swait.ge [sflag:s4], $0x80  }
0xe: {  	[sflag:s4] =	ssyncset.done $0x0  }
0xf: {  	s5 =	simm.s32 $0x8200;
	s0 =	rddreg [dreg:$0x6];
	[sflag:s4] =	ssyncadd.s32 $0xFFFFFF80  }
0x10: {  	[tilespmem:s5], [sflag:$0x3] =	stream.linear.gather [hbm4b:s0+s3], $0x80, $0x38;
	[tilespmem:$0x10400] =	vst v63  }
0x11: {  	_ =	swait.ge [sflag:s4], $0x80  }
0x12: {  	[sflag:s4] =	ssyncset.done $0x0  }
0x13: {  	s6 =	simm.s32 $0x80;
	s7 =	rddreg [dreg:$0x7];
	[sflag:s4] =	ssyncadd.s32 $0xFFFFFF80  }
0x14: {  	[tilespmem:s6], [sflag:$0x3] =	stream.linear.gather [hbm4b:s7+s3], $0x80, $0x38;
	[tilespmem:$0x10400] =	vst v63  }
0x15: {  	_ =	swait.ge [sflag:s4], $0x80  }
0x16: {  	[sflag:s4] =	ssyncset.done $0x0  }
0x17: {  	s7 =	simm.s32 $0x8280;
	s8 =	rddreg [dreg:$0x8];
	[sflag:s4] =	ssyncadd.s32 $0xFFFFFF80  }
0x18: {  	[tilespmem:s7], [sflag:$0x3] =	stream.linear.gather [hbm4b:s8+s3], $0x80, $0x38;
	[tilespmem:$0x10400] =	vst v63  }
0x19: {  	s28 =	sor.u32 $0x100, s22;
	_ =	swait.ge [sflag:s4], $0x80  }
0x1a: {  	s10 =	sshrl.u32 s28, $0x3;
	[sflag:s4] =	ssyncset.done $0x0  }
0x1b: {  	s9 =	simm.s32 $0x100;
	s8 =	sadd.s32 s12, s10;
	[sflag:s4] =	ssyncadd.s32 $0xFFFFFF80  }
0x1c: {  	[tilespmem:s9], [sflag:$0x3] =	stream.linear.gather [hbm4b:s8+s3], $0x80, $0x38;
	[tilespmem:$0x10400] =	vst v63  }
0x1d: {  	_ =	swait.ge [sflag:s4], $0x80  }
0x1e: {  	[sflag:s4] =	ssyncset.done $0x0  }
0x1f: {  	s11 =	simm.s32 $0x8300;
	s10 =	sadd.s32 s14, s10;
	[sflag:s4] =	ssyncadd.s32 $0xFFFFFF80  }
0x20: {  	[tilespmem:s11], [sflag:$0x3] =	stream.linear.gather [hbm4b:s10+s3], $0x80, $0x38;
	[tilespmem:$0x10400] =	vst v63  }
0x21: {  	s30 =	sor.u32 $0x180, s22;
	_ =	swait.ge [sflag:s4], $0x80  }
0x22: {  	s15 =	sshrl.u32 s30, $0x3;
	[sflag:s4] =	ssyncset.done $0x0  }
0x23: {  	s13 =	simm.s32 $0x180;
	s12 =	sadd.s32 s12, s15;
	[sflag:s4] =	ssyncadd.s32 $0xFFFFFF80  }
0x24: {  	[tilespmem:s13], [sflag:$0x3] =	stream.linear.gather [hbm4b:s12+s3], $0x80, $0x38;
	[tilespmem:$0x10400] =	vst v63  }
0x25: {  	_ =	swait.ge [sflag:s4], $0x80  }
0x26: {  	[sflag:s4] =	ssyncset.done $0x0  }
0x27: {  	s14 =	sadd.s32 s14, s15;
	s15 =	simm.s32 $0x8380;
	[sflag:s4] =	ssyncadd.s32 $0xFFFFFF80  }
0x28: {  	[tilespmem:s15], [sflag:$0x3] =	stream.linear.gather [hbm4b:s14+s3], $0x80, $0x38;
	[tilespmem:$0x10400] =	vst v63  }
0x29: {  	_ =	swait.ge [sflag:s4], $0x80  }
0x2a: {  	[sflag:s4] =	ssyncset.done $0x0  }
0x2b: {  	s17 =	simm.s32 $0x200;
	s16 =	sadd.s32 $0x1A00, s24;
	[sflag:s4] =	ssyncadd.s32 $0xFFFFFF80  }
0x2c: {  	[tilespmem:s17], [sflag:$0x1] =	stream.indirect.gather [hbm4b:s16+s6], $0x80, s3, s6, $0xb8;
	[tilespmem:$0x10400] =	vst v63  }
0x2d: {  	s18 =	simm.s32 $0x8400  }
0x2e: {  	[tilespmem:s18], [sflag:$0x2] =	stream.indirect.gather [hbm4b:s2+s6], $0x80, s5, s6, $0xb8;
	[tilespmem:$0x10400] =	vst v63  }
0x2f: {  	s19 =	simm.s32 $0x4200  }
0x30: {  	[tilespmem:s19], [sflag:$0x1] =	stream.indirect.gather [hbm4b:s16+s6], $0x80, s6, s6, $0xb8;
	[tilespmem:$0x10400] =	vst v63  }
0x31: {  	s20 =	simm.s32 $0xC400;
	s21 =	simm.s32 $0x1  }
0x32: {  	[tilespmem:s20], [sflag:$0x2] =	stream.indirect.gather [hbm4b:s2+s6], $0x80, s7, s6, $0xb8;
	[tilespmem:$0x10400] =	vst v63  }
0x33: {  	_ =	swait.ge [sflag:s21], $0x4000  }
0x34: {  	s31 =	sadd.s32 $0xF44000, s24;
	s26 =	sshll.u32 s22, $0x4;
	[sflag:s21] =	ssyncset.done $0x0  }
0x35: {  	s22 =	sadd.s32 s31, s26;
	[sflag:s21] =	ssyncadd.s32 $0xFFFFC000  }
0x36: {  	[hbm4b:s22+s3] =	stream.linear.scatter [tilespmem:s17], [sflag:$0x3], $0x4000, $0x38;
	[tilespmem:$0x10400] =	vst v63  }
0x37: {  	_ =	swait.ge [sflag:s4], $0x4000  }
0x38: {  	[sflag:s4] =	ssyncset.done $0x0  }
0x39: {  	s23 =	simm.s32 $0x2;
	[sflag:s4] =	ssyncadd.s32 $0xFFFFC000  }
0x3a: {  	_ =	swait.ge [sflag:s23], $0x4000  }
0x3b: {  	s0 =	sadd.s32 $0xF84000, s24;
	[sflag:s23] =	ssyncset.done $0x0  }
0x3c: {  	s24 =	sadd.s32 s0, s26;
	[sflag:s23] =	ssyncadd.s32 $0xFFFFC000  }
0x3d: {  	[hbm4b:s24+s3] =	stream.linear.scatter [tilespmem:s18], [sflag:$0x3], $0x4000, $0x38;
	[tilespmem:$0x10400] =	vst v63  }
0x3e: {  	_ =	swait.ge [sflag:s4], $0x4000  }
0x3f: {  	[sflag:s4] =	ssyncset.done $0x0  }
0x40: {  	[sflag:s4] =	ssyncadd.s32 $0xFFFFC000  }
0x41: {  	[tilespmem:s17], [sflag:$0x1] =	stream.indirect.gather [hbm4b:s16+s6], $0x80, s9, s6, $0xb8;
	[tilespmem:$0x10400] =	vst v63  }
0x42: {  	_ = 	snop  }
0x43: {  	[tilespmem:s18], [sflag:$0x2] =	stream.indirect.gather [hbm4b:s2+s6], $0x80, s11, s6, $0xb8;
	[tilespmem:$0x10400] =	vst v63  }
0x44: {  	_ =	swait.ge [sflag:s21], $0x4000  }
0x45: {  	s26 =	sshll.u32 s25, $0x4;
	[sflag:s21] =	ssyncset.done $0x0  }
0x46: {  	s25 =	sadd.s32 s31, s26;
	[sflag:s21] =	ssyncadd.s32 $0xFFFFC000  }
0x47: {  	[hbm4b:s25+s3] =	stream.linear.scatter [tilespmem:s19], [sflag:$0x3], $0x4000, $0x38;
	[tilespmem:$0x10400] =	vst v63  }
0x48: {  	_ =	swait.ge [sflag:s4], $0x4000  }
0x49: {  	[sflag:s4] =	ssyncset.done $0x0  }
0x4a: {  	[sflag:s4] =	ssyncadd.s32 $0xFFFFC000  }
0x4b: {  	_ =	swait.ge [sflag:s23], $0x4000  }
0x4c: {  	[sflag:s23] =	ssyncset.done $0x0  }
0x4d: {  	s26 =	sadd.s32 s0, s26;
	[dreg:$0x9] =	wrdreg s0;
	[sflag:s23] =	ssyncadd.s32 $0xFFFFC000  }
0x4e: {  	[hbm4b:s26+s3] =	stream.linear.scatter [tilespmem:s20], [sflag:$0x3], $0x4000, $0x38;
	[tilespmem:$0x10400] =	vst v63  }
0x4f: {  	_ =	swait.ge [sflag:s4], $0x4000  }
0x50: {  	[sflag:s4] =	ssyncset.done $0x0  }
0x51: {  	[sflag:s4] =	ssyncadd.s32 $0xFFFFC000  }
0x52: {  	[tilespmem:s19], [sflag:$0x1] =	stream.indirect.gather [hbm4b:s16+s6], $0x80, s13, s6, $0xb8;
	[tilespmem:$0x10400] =	vst v63  }
0x53: {  	_ = 	snop  }
0x54: {  	[tilespmem:s20], [sflag:$0x2] =	stream.indirect.gather [hbm4b:s2+s6], $0x80, s15, s6, $0xb8;
	[tilespmem:$0x10400] =	vst v63  }
0x55: {  	_ =	swait.ge [sflag:s21], $0x4000  }
0x56: {  	s29 =	sshll.u32 s28, $0x4;
	[sflag:s21] =	ssyncset.done $0x0  }
0x57: {  	s28 =	sadd.s32 s31, s29;
	[sflag:s21] =	ssyncadd.s32 $0xFFFFC000  }
0x58: {  	[hbm4b:s28+s3] =	stream.linear.scatter [tilespmem:s17], [sflag:$0x3], $0x4000, $0x38;
	[tilespmem:$0x10400] =	vst v63  }
0x59: {  	_ =	swait.ge [sflag:s4], $0x4000  }
0x5a: {  	[sflag:s4] =	ssyncset.done $0x0  }
0x5b: {  	[sflag:s4] =	ssyncadd.s32 $0xFFFFC000  }
0x5c: {  	_ =	swait.ge [sflag:s23], $0x4000  }
0x5d: {  	[sflag:s23] =	ssyncset.done $0x0  }
0x5e: {  	s29 =	sadd.s32 s0, s29;
	[sflag:s23] =	ssyncadd.s32 $0xFFFFC000  }
0x5f: {  	[hbm4b:s29+s3] =	stream.linear.scatter [tilespmem:s18], [sflag:$0x3], $0x4000, $0x38;
	[tilespmem:$0x10400] =	vst v63  }
0x60: {  	_ =	swait.ge [sflag:s4], $0x4000  }
0x61: {  	[sflag:s4] =	ssyncset.done $0x0  }
0x62: {  	[sflag:s4] =	ssyncadd.s32 $0xFFFFC000  }
0x63: {  	s0 =	sshll.u32 s30, $0x4;
	_ =	swait.ge [sflag:s21], $0x4000  }
0x64: {  	s30 =	sadd.s32 s31, s0;
	s31 =	ssub.s32 $0x2, s1;
	[sflag:s21] =	ssyncset.done $0x0  }
0x65: {  	s1 =	sshrl.u32 s31, $0x1;
	[sflag:s21] =	ssyncadd.s32 $0xFFFFC000  }
0x66: {  	[hbm4b:s30+s3] =	stream.linear.scatter [tilespmem:s19], [sflag:$0x3], $0x4000, $0x38;
	[tilespmem:$0x10400] =	vst v63  }
0x67: {  	s1 =	ssub.s32 s31, s1;
	_ =	swait.ge [sflag:s4], $0x4000  }
0x68: {  	s1 =	smax.u32 s1, $0x1;
	[sflag:s4] =	ssyncset.done $0x0  }
0x69: {  	p0 =	sne.s32 s1, $0x1;
	[sflag:s4] =	ssyncadd.s32 $0xFFFFC000  }
.Ltmp0:
0x6a: {  	_ =	swait.ge [sflag:s23], $0x4000;
	(pc) =	sbr.rel @!p0 .LBB2_2-.Ltmp0, $4  }
0x6b: {  	[sflag:s23] =	ssyncset.done $0x0;
	s31 =	rddreg [dreg:$0x9]  }
0x6c: {  	s31 =	sadd.s32 s31, s0;
	[sflag:s23] =	ssyncadd.s32 $0xFFFFC000  }
0x6d: {  	[hbm4b:s31+s3] =	stream.linear.scatter [tilespmem:s20], [sflag:$0x3], $0x4000, $0x38;
	[tilespmem:$0x10400] =	vst v63  }
0x6e: {  	s1 =	sadd.s32 $0xFFFFFFFF, s1;
	_ =	swait.ge [sflag:s4], $0x4000  }
.LBB2_1:
0x6f: {  	[sflag:s4] =	ssyncset.done $0x0  }
0x70: {  	s0 =	rddreg [dreg:$0x5];
	[sflag:s4] =	ssyncadd.s32 $0xFFFFC000  }
0x71: {  	[tilespmem:s3], [sflag:$0x3] =	stream.linear.gather [hbm4b:s0+s3], $0x80, $0x38;
	[tilespmem:$0x10400] =	vst v63  }
0x72: {  	_ =	swait.ge [sflag:s4], $0x80  }
0x73: {  	[sflag:s4] =	ssyncset.done $0x0  }
0x74: {  	s0 =	rddreg [dreg:$0x6];
	[sflag:s4] =	ssyncadd.s32 $0xFFFFFF80  }
0x75: {  	[tilespmem:s5], [sflag:$0x3] =	stream.linear.gather [hbm4b:s0+s3], $0x80, $0x38;
	[tilespmem:$0x10400] =	vst v63  }
0x76: {  	_ =	swait.ge [sflag:s4], $0x80  }
0x77: {  	[sflag:s4] =	ssyncset.done $0x0  }
0x78: {  	s0 =	rddreg [dreg:$0x7];
	[sflag:s4] =	ssyncadd.s32 $0xFFFFFF80  }
0x79: {  	[tilespmem:s6], [sflag:$0x3] =	stream.linear.gather [hbm4b:s0+s3], $0x80, $0x38;
	[tilespmem:$0x10400] =	vst v63  }
0x7a: {  	_ =	swait.ge [sflag:s4], $0x80  }
0x7b: {  	[sflag:s4] =	ssyncset.done $0x0  }
0x7c: {  	s0 =	rddreg [dreg:$0x8];
	[sflag:s4] =	ssyncadd.s32 $0xFFFFFF80  }
0x7d: {  	[tilespmem:s7], [sflag:$0x3] =	stream.linear.gather [hbm4b:s0+s3], $0x80, $0x38;
	[tilespmem:$0x10400] =	vst v63  }
0x7e: {  	_ =	swait.ge [sflag:s4], $0x80  }
0x7f: {  	[sflag:s4] =	ssyncset.done $0x0  }
0x80: {  	[sflag:s4] =	ssyncadd.s32 $0xFFFFFF80  }
0x81: {  	[tilespmem:s9], [sflag:$0x3] =	stream.linear.gather [hbm4b:s8+s3], $0x80, $0x38;
	[tilespmem:$0x10400] =	vst v63  }
0x82: {  	_ =	swait.ge [sflag:s4], $0x80  }
0x83: {  	[sflag:s4] =	ssyncset.done $0x0  }
0x84: {  	[sflag:s4] =	ssyncadd.s32 $0xFFFFFF80  }
0x85: {  	[tilespmem:s11], [sflag:$0x3] =	stream.linear.gather [hbm4b:s10+s3], $0x80, $0x38;
	[tilespmem:$0x10400] =	vst v63  }
0x86: {  	_ =	swait.ge [sflag:s4], $0x80  }
0x87: {  	[sflag:s4] =	ssyncset.done $0x0  }
0x88: {  	[sflag:s4] =	ssyncadd.s32 $0xFFFFFF80  }
0x89: {  	[tilespmem:s13], [sflag:$0x3] =	stream.linear.gather [hbm4b:s12+s3], $0x80, $0x38;
	[tilespmem:$0x10400] =	vst v63  }
0x8a: {  	_ =	swait.ge [sflag:s4], $0x80  }
0x8b: {  	[sflag:s4] =	ssyncset.done $0x0  }
0x8c: {  	[sflag:s4] =	ssyncadd.s32 $0xFFFFFF80  }
0x8d: {  	[tilespmem:s15], [sflag:$0x3] =	stream.linear.gather [hbm4b:s14+s3], $0x80, $0x38;
	[tilespmem:$0x10400] =	vst v63  }
0x8e: {  	_ =	swait.ge [sflag:s4], $0x80  }
0x8f: {  	[sflag:s4] =	ssyncset.done $0x0  }
0x90: {  	[sflag:s4] =	ssyncadd.s32 $0xFFFFFF80  }
0x91: {  	[tilespmem:s17], [sflag:$0x1] =	stream.indirect.gather [hbm4b:s16+s6], $0x80, s3, s6, $0xb8;
	[tilespmem:$0x10400] =	vst v63  }
0x92: {  	_ = 	snop  }
0x93: {  	[tilespmem:s18], [sflag:$0x2] =	stream.indirect.gather [hbm4b:s2+s6], $0x80, s5, s6, $0xb8;
	[tilespmem:$0x10400] =	vst v63  }
0x94: {  	_ = 	snop  }
0x95: {  	[tilespmem:s19], [sflag:$0x1] =	stream.indirect.gather [hbm4b:s16+s6], $0x80, s6, s6, $0xb8;
	[tilespmem:$0x10400] =	vst v63  }
0x96: {  	_ = 	snop  }
0x97: {  	[tilespmem:s20], [sflag:$0x2] =	stream.indirect.gather [hbm4b:s2+s6], $0x80, s7, s6, $0xb8;
	[tilespmem:$0x10400] =	vst v63  }
0x98: {  	_ =	swait.ge [sflag:s21], $0x4000  }
0x99: {  	[sflag:s21] =	ssyncset.done $0x0  }
0x9a: {  	[sflag:s21] =	ssyncadd.s32 $0xFFFFC000  }
0x9b: {  	[hbm4b:s22+s3] =	stream.linear.scatter [tilespmem:s17], [sflag:$0x3], $0x4000, $0x38;
	[tilespmem:$0x10400] =	vst v63  }
0x9c: {  	_ =	swait.ge [sflag:s4], $0x4000  }
0x9d: {  	[sflag:s4] =	ssyncset.done $0x0  }
0x9e: {  	[sflag:s4] =	ssyncadd.s32 $0xFFFFC000  }
0x9f: {  	_ =	swait.ge [sflag:s23], $0x4000  }
0xa0: {  	[sflag:s23] =	ssyncset.done $0x0  }
0xa1: {  	[sflag:s23] =	ssyncadd.s32 $0xFFFFC000  }
0xa2: {  	[hbm4b:s24+s3] =	stream.linear.scatter [tilespmem:s18], [sflag:$0x3], $0x4000, $0x38;
	[tilespmem:$0x10400] =	vst v63  }
0xa3: {  	_ =	swait.ge [sflag:s4], $0x4000  }
0xa4: {  	[sflag:s4] =	ssyncset.done $0x0  }
0xa5: {  	[sflag:s4] =	ssyncadd.s32 $0xFFFFC000  }
0xa6: {  	[tilespmem:s17], [sflag:$0x1] =	stream.indirect.gather [hbm4b:s16+s6], $0x80, s9, s6, $0xb8;
	[tilespmem:$0x10400] =	vst v63  }
0xa7: {  	_ = 	snop  }
0xa8: {  	[tilespmem:s18], [sflag:$0x2] =	stream.indirect.gather [hbm4b:s2+s6], $0x80, s11, s6, $0xb8;
	[tilespmem:$0x10400] =	vst v63  }
0xa9: {  	_ =	swait.ge [sflag:s21], $0x4000  }
0xaa: {  	[sflag:s21] =	ssyncset.done $0x0  }
0xab: {  	[sflag:s21] =	ssyncadd.s32 $0xFFFFC000  }
0xac: {  	[hbm4b:s25+s3] =	stream.linear.scatter [tilespmem:s19], [sflag:$0x3], $0x4000, $0x38;
	[tilespmem:$0x10400] =	vst v63  }
0xad: {  	_ =	swait.ge [sflag:s4], $0x4000  }
0xae: {  	[sflag:s4] =	ssyncset.done $0x0  }
0xaf: {  	[sflag:s4] =	ssyncadd.s32 $0xFFFFC000  }
0xb0: {  	_ =	swait.ge [sflag:s23], $0x4000  }
0xb1: {  	[sflag:s23] =	ssyncset.done $0x0  }
0xb2: {  	[sflag:s23] =	ssyncadd.s32 $0xFFFFC000  }
0xb3: {  	[hbm4b:s26+s3] =	stream.linear.scatter [tilespmem:s20], [sflag:$0x3], $0x4000, $0x38;
	[tilespmem:$0x10400] =	vst v63  }
0xb4: {  	_ =	swait.ge [sflag:s4], $0x4000  }
0xb5: {  	[sflag:s4] =	ssyncset.done $0x0  }
0xb6: {  	[sflag:s4] =	ssyncadd.s32 $0xFFFFC000  }
0xb7: {  	[tilespmem:s19], [sflag:$0x1] =	stream.indirect.gather [hbm4b:s16+s6], $0x80, s13, s6, $0xb8;
	[tilespmem:$0x10400] =	vst v63  }
0xb8: {  	_ = 	snop  }
0xb9: {  	[tilespmem:s20], [sflag:$0x2] =	stream.indirect.gather [hbm4b:s2+s6], $0x80, s15, s6, $0xb8;
	[tilespmem:$0x10400] =	vst v63  }
0xba: {  	_ =	swait.ge [sflag:s21], $0x4000  }
0xbb: {  	[sflag:s21] =	ssyncset.done $0x0  }
0xbc: {  	[sflag:s21] =	ssyncadd.s32 $0xFFFFC000  }
0xbd: {  	[hbm4b:s28+s3] =	stream.linear.scatter [tilespmem:s17], [sflag:$0x3], $0x4000, $0x38;
	[tilespmem:$0x10400] =	vst v63  }
0xbe: {  	_ =	swait.ge [sflag:s4], $0x4000  }
0xbf: {  	[sflag:s4] =	ssyncset.done $0x0  }
0xc0: {  	[sflag:s4] =	ssyncadd.s32 $0xFFFFC000  }
0xc1: {  	_ =	swait.ge [sflag:s23], $0x4000  }
0xc2: {  	[sflag:s23] =	ssyncset.done $0x0  }
0xc3: {  	[sflag:s23] =	ssyncadd.s32 $0xFFFFC000  }
0xc4: {  	[hbm4b:s29+s3] =	stream.linear.scatter [tilespmem:s18], [sflag:$0x3], $0x4000, $0x38;
	[tilespmem:$0x10400] =	vst v63  }
0xc5: {  	_ =	swait.ge [sflag:s4], $0x4000  }
0xc6: {  	[sflag:s4] =	ssyncset.done $0x0  }
0xc7: {  	[sflag:s4] =	ssyncadd.s32 $0xFFFFC000  }
0xc8: {  	_ =	swait.ge [sflag:s21], $0x4000  }
0xc9: {  	[sflag:s21] =	ssyncset.done $0x0  }
0xca: {  	[sflag:s21] =	ssyncadd.s32 $0xFFFFC000  }
0xcb: {  	[hbm4b:s30+s3] =	stream.linear.scatter [tilespmem:s19], [sflag:$0x3], $0x4000, $0x38;
	[tilespmem:$0x10400] =	vst v63  }
0xcc: {  	_ =	swait.ge [sflag:s4], $0x4000  }
0xcd: {  	[sflag:s4] =	ssyncset.done $0x0  }
0xce: {  	p0 =	sne.s32 s1, $0x1;
	[sflag:s4] =	ssyncadd.s32 $0xFFFFC000  }
.Ltmp1:
0xcf: {  	_ =	swait.ge [sflag:s23], $0x4000;
	(pc) =	sbr.rel @p0 .LBB2_1-.Ltmp1, $4  }
0xd0: {  	[sflag:s23] =	ssyncset.done $0x0  }
0xd1: {  	[sflag:s23] =	ssyncadd.s32 $0xFFFFC000  }
0xd2: {  	[hbm4b:s31+s3] =	stream.linear.scatter [tilespmem:s20], [sflag:$0x3], $0x4000, $0x38;
	[tilespmem:$0x10400] =	vst v63  }
0xd3: {  	s1 =	sadd.s32 $0xFFFFFFFF, s1;
	_ =	swait.ge [sflag:s4], $0x4000  }
.LBB2_2:
0xd4: {  	[sflag:s4] =	ssyncset.done $0x0  }
0xd5: {  	[sflag:s4] =	ssyncadd.s32 $0xFFFFC000  }
0xd6: {  	_ =	sfence.sel $0x180000  }
0xd7: {  	[bflag:$0x0] =	sbarrier.arrive $0xFFFF  }
0xd8: {  	_ =	strace $0x90000047  }
0xd9: {  	s0 =	stileid.u32;
	[bflag:$0x2] =	sbarrier.arrive $0xFFFF  }
0xda: {  	p0 =	sne.s32 s0, $0x0;
	s0 =	rddreg [dreg:$0x4]  }
0xdb: {  	s0 =	sadd.s32 @!p0 $0x100000, s0  }
0xdc: {  	[sflag:s0] =	ssyncadd.tile.s32 @!p0 $0x1;
	_ =	shalt  }
.Lfunc_end2:
_tile_overlayer_lowered:
.L_overlay_start_2:
0xdd: {  	(tag) =	ssettag $0x2  }
0xde: {  	s0 =	rddreg [dreg:$0x0];
	s2 =	stileid.u32  }
0xdf: {  	s1 =	rddreg [dreg:$0x1];
	p0 =	sne.s32 s2, $0x0  }
0xe0: {  	s3 =	rddreg [dreg:$0x2];
	[bflag:$0x3] =	sbarrier.arrive $0xFFFF;
	s2 =	simm.s32 @!p0 $0x1C03  }
0xe1: {  	[timem:s3], [sflag:s2] =	dma.local @!p0 [hbm:s0], s1  }
0xe2: {  	s0 =	simm.s32 @!p0 $0x3  }
0xe3: {  	_ =	swait.ge @!p0 [sflag:s0], s1  }
0xe4: {  	s1 =	ssub.s32 @!p0 $0x0, s1;
	[sflag:s0] =	ssyncset.done @!p0 $0x0  }
0xe5: {  	[sflag:s0] =	ssyncadd.s32 @!p0 s1  }
0xe6: {  	[bflag:$0x3] =	sbarrier.arrive $0xFFFF  }
0xe7: {  	_ =	shalt  }

</sc_bundles>
